<compile_context>
chip_gen: v7x
topology: tpu7x:2x2x1
jax: 0.10.2.dev20260603
libtpu: 0.0.44.dev20260713+nightly
codegen_flags: <defaults>
</compile_context>

<pallas_src>
import functools

import jax
import jax.numpy as jnp
from jax import lax
from jax.experimental import pallas as pl
from jax.experimental.pallas import tpu as pltpu
from jax.experimental.pallas import tpu_sc as plsc

NSLOT = 8
SKEW = 2


@functools.lru_cache(maxsize=None)
def _make_gather(n_rows, d_model, CHUNK=200):
    info = plsc.get_sparse_core_info()
    nc, ns = info.num_cores, info.num_subcores
    nw = nc * ns
    assert n_rows % nw == 0
    b_per_w = n_rows // nw
    assert b_per_w % (NSLOT * CHUNK) == 0
    n_outer = b_per_w // (NSLOT * CHUNK)
    n_chunks = b_per_w // CHUNK
    mesh = plsc.VectorSubcoreMesh(core_axis_name="c", subcore_axis_name="s")

    @functools.partial(
        pl.kernel,
        mesh=mesh,
        compiler_params=pltpu.CompilerParams(use_tc_tiling_on_sc=False),
        out_type=jax.ShapeDtypeStruct((n_rows, d_model), jnp.float32),
        scratch_types=[
            pltpu.VMEM((NSLOT, CHUNK), jnp.int32),
            pltpu.VMEM((NSLOT, CHUNK, d_model), jnp.float32),
            pltpu.SemaphoreType.DMA((NSLOT,)),
            pltpu.SemaphoreType.DMA((NSLOT,)),
            pltpu.SemaphoreType.DMA((NSLOT,)),
        ],
    )
    def gather_kernel(idx_hbm, table_hbm, out_hbm, idx_v, rows_sp, sem_idx,
                      sem_gth, sem_st):
        wid = lax.axis_index("s") * nc + lax.axis_index("c")
        wbase = wid * b_per_w

        def rows_v(slot):
            return rows_sp.at[slot]

        def issue_idx(chunk_id, slot):
            pltpu.async_copy(
                idx_hbm.at[pl.ds(wbase + chunk_id * CHUNK, CHUNK)],
                idx_v.at[slot], sem_idx.at[slot])

        def wait_idx(slot):
            pltpu.make_async_copy(
                idx_hbm.at[pl.ds(0, CHUNK)], idx_v.at[slot],
                sem_idx.at[slot]).wait()

        def issue_gather(slot):
            pltpu.async_copy(
                table_hbm.at[idx_v.at[slot]], rows_v(slot),
                sem_gth.at[slot])

        def wait_gather(slot):
            pltpu.make_async_copy(
                table_hbm.at[idx_v.at[slot]], rows_v(slot),
                sem_gth.at[slot]).wait()

        def issue_store(chunk_id, slot):
            pltpu.async_copy(
                rows_v(slot),
                out_hbm.at[pl.ds(wbase + chunk_id * CHUNK, CHUNK)],
                sem_st.at[slot])

        def wait_store(slot):
            pltpu.make_async_copy(
                rows_v(slot), out_hbm.at[pl.ds(0, CHUNK)],
                sem_st.at[slot]).wait()

        for b in range(NSLOT):
            issue_idx(b, b)

        def outer(j, carry):
            for b in range(NSLOT):
                i = j * NSLOT + b
                s = b
                sc = (b - SKEW) % NSLOT
                def complete_prev(b=b, i=i, sc=sc):
                    wait_gather(sc)
                    if b >= SKEW:
                        @pl.when(j < n_outer - 1)
                        def _():
                            issue_idx(i - SKEW + NSLOT, sc)
                    else:
                        issue_idx(i - SKEW + NSLOT, sc)
                    issue_store(i - SKEW, sc)

                if b >= SKEW:
                    complete_prev()
                else:
                    @pl.when(j > 0)
                    def _(complete_prev=complete_prev):
                        complete_prev()
                @pl.when(j > 0)
                def _():
                    wait_store(s)
                wait_idx(s)
                issue_gather(s)
            return carry

        lax.fori_loop(0, n_outer, outer, 0)

        for c in range(n_chunks - SKEW, n_chunks):
            s = c % NSLOT
            wait_gather(s)
            issue_store(c, s)
        for s in range(NSLOT):
            wait_store(s)

    return gather_kernel


def kernel(x, table):
    b, l = x.shape
    n = b * l
    flat = x.reshape(n).astype(jnp.int32)
    out = _make_gather(n, table.shape[1])(flat, table)
    return out.reshape(b, l, table.shape[1])

# --- scband reference (transcript-rebuilt; emitter-appended) ---
"""Pipeline reference for scband-token-embedding-56899726737917 (READ-ONLY COPY).

The authoritative reference and input builder live on the scoring server;
editing this copy changes nothing except your own understanding.
"""

import jax, jax.numpy as jnp
import numpy as np

VOCAB = 1000000
D_MODEL = 64
B = 16384
L = 50

def setup_inputs(seed: int = 0) -> dict:
    key = jax.random.key(seed)
    k_idx, k_tab = jax.random.split(key)
    x = jax.random.randint(k_idx, (B, L), 0, VOCAB, dtype=jnp.int64 if jax.config.jax_enable_x64 else jnp.int32)
    table = jax.random.normal(k_tab, (VOCAB, D_MODEL), dtype=jnp.float32)
    return {"x": x, "table": table}

def reference(x, table):
    # nn.Embedding forward: gather rows of the table by index
    return jnp.take(table, x, axis=0)

if __name__ == "__main__":
    import jax
    _d = setup_inputs()
    print(jax.jit(kernel)(*tuple(_d.values())))

</pallas_src>

<mosaic_0001>
#map = affine_map<(d0, d1) -> (0)>
#map1 = affine_map<(d0, d1) -> (0, 0)>
module attributes {stable_mosaic.version = 14 : i64} {
  func.func @gather_kernel(%arg0: i32, %arg1: i32, %arg2: memref<819200xi32, #tpu.memory_space<hbm>>, %arg3: memref<1000000x64xf32, #tpu.memory_space<hbm>>, %arg4: memref<819200x64xf32, #tpu.memory_space<hbm>>, %arg5: memref<8x200xi32, #tpu.memory_space<vmem>>, %arg6: memref<8x200x64xf32, #tpu.memory_space<vmem>>, %arg7: memref<8x!tpu.dma_semaphore, #tpu.memory_space<semaphore_mem>>, %arg8: memref<8x!tpu.dma_semaphore, #tpu.memory_space<semaphore_mem>>, %arg9: memref<8x!tpu.dma_semaphore, #tpu.memory_space<semaphore_mem>>) attributes {dimension_semantics = [#tpu.dimension_semantics<core_parallel>, #tpu.dimension_semantics<subcore_parallel>], iteration_bounds = array<i64: 2, 16>, scalar_prefetch = 0 : i64, scratch_operands = 5 : i64, tpu.core_type = #tpu.core_type<sc_vector_subcore>, window_params = [{transform_indices = #map}, {transform_indices = #map1}, {transform_indices = #map1}]} {
    %mul3A = arith.constant 2 : i32
    %mul3A_0 = arith.muli %arg1, %mul3A : i32
    %add3A = arith.addi %mul3A_0, %arg0 : i32
    %mul3A_1 = arith.constant 25600 : i32
    %mul3A_2 = arith.muli %add3A, %mul3A_1 : i32
    %add3A_3 = arith.constant 0 : i32
    %add3A_4 = arith.addi %mul3A_2, %add3A_3 : i32
    %dma_start3A = arith.constant 0 : i32
    %dma_start3A_5 = arith.constant 0 : i32
    %dma_start3A_6 = arith.constant 0 : i32
    %dma_start3A_7 = tpu.memref_slice %arg5[%dma_start3A, %dma_start3A_6] : memref<8x200xi32, #tpu.memory_space<vmem>> -> memref<1x200xi32, #tpu.memory_space<vmem>>
    %dma_start3A_8 = tpu.memref_squeeze %dma_start3A_7 : memref<1x200xi32, #tpu.memory_space<vmem>> -> memref<200xi32, #tpu.memory_space<vmem>>
    %dma_start3A_9 = tpu.memref_slice %arg2[%add3A_4] : memref<819200xi32, #tpu.memory_space<hbm>> -> memref<200xi32, #tpu.memory_space<hbm>>
    %dma_start3A_10 = tpu.memref_slice %arg7[%dma_start3A_5] : memref<8x!tpu.dma_semaphore, #tpu.memory_space<semaphore_mem>> -> memref<1x!tpu.dma_semaphore, #tpu.memory_space<semaphore_mem>>
    %dma_start3A_11 = tpu.memref_squeeze %dma_start3A_10 : memref<1x!tpu.dma_semaphore, #tpu.memory_space<semaphore_mem>> -> memref<!tpu.dma_semaphore, #tpu.memory_space<semaphore_mem>>
    %dma_start3A_12 = arith.constant 0 : i32
    %dma_start3A_13 = tpu.memref_slice %arg5[%dma_start3A, %dma_start3A_12] : memref<8x200xi32, #tpu.memory_space<vmem>> -> memref<1x200xi32, #tpu.memory_space<vmem>>
    %dma_start3A_14 = tpu.memref_squeeze %dma_start3A_13 : memref<1x200xi32, #tpu.memory_space<vmem>> -> memref<200xi32, #tpu.memory_space<vmem>>
    %dma_start3A_15 = tpu.memref_slice %arg2[%add3A_4] : memref<819200xi32, #tpu.memory_space<hbm>> -> memref<200xi32, #tpu.memory_space<hbm>>
    tpu.enqueue_dma source(%dma_start3A_15 : memref<200xi32, #tpu.memory_space<hbm>>) target(%dma_start3A_14 : memref<200xi32, #tpu.memory_space<vmem>>) target_semaphore(%dma_start3A_11 : memref<!tpu.dma_semaphore, #tpu.memory_space<semaphore_mem>>)
    %add3A_16 = arith.constant 200 : i32
    %add3A_17 = arith.addi %mul3A_2, %add3A_16 : i32
    %dma_start3A_18 = arith.constant 1 : i32
    %dma_start3A_19 = arith.constant 1 : i32
    %dma_start3A_20 = arith.constant 0 : i32
    %dma_start3A_21 = tpu.memref_slice %arg5[%dma_start3A_18, %dma_start3A_20] : memref<8x200xi32, #tpu.memory_space<vmem>> -> memref<1x200xi32, #tpu.memory_space<vmem>>
    %dma_start3A_22 = tpu.memref_squeeze %dma_start3A_21 : memref<1x200xi32, #tpu.memory_space<vmem>> -> memref<200xi32, #tpu.memory_space<vmem>>
    %dma_start3A_23 = tpu.memref_slice %arg2[%add3A_17] : memref<819200xi32, #tpu.memory_space<hbm>> -> memref<200xi32, #tpu.memory_space<hbm>>
    %dma_start3A_24 = tpu.memref_slice %arg7[%dma_start3A_19] : memref<8x!tpu.dma_semaphore, #tpu.memory_space<semaphore_mem>> -> memref<1x!tpu.dma_semaphore, #tpu.memory_space<semaphore_mem>>
    %dma_start3A_25 = tpu.memref_squeeze %dma_start3A_24 : memref<1x!tpu.dma_semaphore, #tpu.memory_space<semaphore_mem>> -> memref<!tpu.dma_semaphore, #tpu.memory_space<semaphore_mem>>
    %dma_start3A_26 = arith.constant 0 : i32
    %dma_start3A_27 = tpu.memref_slice %arg5[%dma_start3A_18, %dma_start3A_26] : memref<8x200xi32, #tpu.memory_space<vmem>> -> memref<1x200xi32, #tpu.memory_space<vmem>>
    %dma_start3A_28 = tpu.memref_squeeze %dma_start3A_27 : memref<1x200xi32, #tpu.memory_space<vmem>> -> memref<200xi32, #tpu.memory_space<vmem>>
    %dma_start3A_29 = tpu.memref_slice %arg2[%add3A_17] : memref<819200xi32, #tpu.memory_space<hbm>> -> memref<200xi32, #tpu.memory_space<hbm>>
    tpu.enqueue_dma source(%dma_start3A_29 : memref<200xi32, #tpu.memory_space<hbm>>) target(%dma_start3A_28 : memref<200xi32, #tpu.memory_space<vmem>>) target_semaphore(%dma_start3A_25 : memref<!tpu.dma_semaphore, #tpu.memory_space<semaphore_mem>>)
    %add3A_30 = arith.constant 400 : i32
    %add3A_31 = arith.addi %mul3A_2, %add3A_30 : i32
    %dma_start3A_32 = arith.constant 2 : i32
    %dma_start3A_33 = arith.constant 2 : i32
    %dma_start3A_34 = arith.constant 0 : i32
    %dma_start3A_35 = tpu.memref_slice %arg5[%dma_start3A_32, %dma_start3A_34] : memref<8x200xi32, #tpu.memory_space<vmem>> -> memref<1x200xi32, #tpu.memory_space<vmem>>
    %dma_start3A_36 = tpu.memref_squeeze %dma_start3A_35 : memref<1x200xi32, #tpu.memory_space<vmem>> -> memref<200xi32, #tpu.memory_space<vmem>>
    %dma_start3A_37 = tpu.memref_slice %arg2[%add3A_31] : memref<819200xi32, #tpu.memory_space<hbm>> -> memref<200xi32, #tpu.memory_space<hbm>>
    %dma_start3A_38 = tpu.memref_slice %arg7[%dma_start3A_33] : memref<8x!tpu.dma_semaphore, #tpu.memory_space<semaphore_mem>> -> memref<1x!tpu.dma_semaphore, #tpu.memory_space<semaphore_mem>>
    %dma_start3A_39 = tpu.memref_squeeze %dma_start3A_38 : memref<1x!tpu.dma_semaphore, #tpu.memory_space<semaphore_mem>> -> memref<!tpu.dma_semaphore, #tpu.memory_space<semaphore_mem>>
    %dma_start3A_40 = arith.constant 0 : i32
    %dma_start3A_41 = tpu.memref_slice %arg5[%dma_start3A_32, %dma_start3A_40] : memref<8x200xi32, #tpu.memory_space<vmem>> -> memref<1x200xi32, #tpu.memory_space<vmem>>
    %dma_start3A_42 = tpu.memref_squeeze %dma_start3A_41 : memref<1x200xi32, #tpu.memory_space<vmem>> -> memref<200xi32, #tpu.memory_space<vmem>>
    %dma_start3A_43 = tpu.memref_slice %arg2[%add3A_31] : memref<819200xi32, #tpu.memory_space<hbm>> -> memref<200xi32, #tpu.memory_space<hbm>>
    tpu.enqueue_dma source(%dma_start3A_43 : memref<200xi32, #tpu.memory_space<hbm>>) target(%dma_start3A_42 : memref<200xi32, #tpu.memory_space<vmem>>) target_semaphore(%dma_start3A_39 : memref<!tpu.dma_semaphore, #tpu.memory_space<semaphore_mem>>)
    %add3A_44 = arith.constant 600 : i32
    %add3A_45 = arith.addi %mul3A_2, %add3A_44 : i32
    %dma_start3A_46 = arith.constant 3 : i32
    %dma_start3A_47 = arith.constant 3 : i32
    %dma_start3A_48 = arith.constant 0 : i32
    %dma_start3A_49 = tpu.memref_slice %arg5[%dma_start3A_46, %dma_start3A_48] : memref<8x200xi32, #tpu.memory_space<vmem>> -> memref<1x200xi32, #tpu.memory_space<vmem>>
    %dma_start3A_50 = tpu.memref_squeeze %dma_start3A_49 : memref<1x200xi32, #tpu.memory_space<vmem>> -> memref<200xi32, #tpu.memory_space<vmem>>
    %dma_start3A_51 = tpu.memref_slice %arg2[%add3A_45] : memref<819200xi32, #tpu.memory_space<hbm>> -> memref<200xi32, #tpu.memory_space<hbm>>
    %dma_start3A_52 = tpu.memref_slice %arg7[%dma_start3A_47] : memref<8x!tpu.dma_semaphore, #tpu.memory_space<semaphore_mem>> -> memref<1x!tpu.dma_semaphore, #tpu.memory_space<semaphore_mem>>
    %dma_start3A_53 = tpu.memref_squeeze %dma_start3A_52 : memref<1x!tpu.dma_semaphore, #tpu.memory_space<semaphore_mem>> -> memref<!tpu.dma_semaphore, #tpu.memory_space<semaphore_mem>>
    %dma_start3A_54 = arith.constant 0 : i32
    %dma_start3A_55 = tpu.memref_slice %arg5[%dma_start3A_46, %dma_start3A_54] : memref<8x200xi32, #tpu.memory_space<vmem>> -> memref<1x200xi32, #tpu.memory_space<vmem>>
    %dma_start3A_56 = tpu.memref_squeeze %dma_start3A_55 : memref<1x200xi32, #tpu.memory_space<vmem>> -> memref<200xi32, #tpu.memory_space<vmem>>
    %dma_start3A_57 = tpu.memref_slice %arg2[%add3A_45] : memref<819200xi32, #tpu.memory_space<hbm>> -> memref<200xi32, #tpu.memory_space<hbm>>
    tpu.enqueue_dma source(%dma_start3A_57 : memref<200xi32, #tpu.memory_space<hbm>>) target(%dma_start3A_56 : memref<200xi32, #tpu.memory_space<vmem>>) target_semaphore(%dma_start3A_53 : memref<!tpu.dma_semaphore, #tpu.memory_space<semaphore_mem>>)
    %add3A_58 = arith.constant 800 : i32
    %add3A_59 = arith.addi %mul3A_2, %add3A_58 : i32
    %dma_start3A_60 = arith.constant 4 : i32
    %dma_start3A_61 = arith.constant 4 : i32
    %dma_start3A_62 = arith.constant 0 : i32
    %dma_start3A_63 = tpu.memref_slice %arg5[%dma_start3A_60, %dma_start3A_62] : memref<8x200xi32, #tpu.memory_space<vmem>> -> memref<1x200xi32, #tpu.memory_space<vmem>>
    %dma_start3A_64 = tpu.memref_squeeze %dma_start3A_63 : memref<1x200xi32, #tpu.memory_space<vmem>> -> memref<200xi32, #tpu.memory_space<vmem>>
    %dma_start3A_65 = tpu.memref_slice %arg2[%add3A_59] : memref<819200xi32, #tpu.memory_space<hbm>> -> memref<200xi32, #tpu.memory_space<hbm>>
    %dma_start3A_66 = tpu.memref_slice %arg7[%dma_start3A_61] : memref<8x!tpu.dma_semaphore, #tpu.memory_space<semaphore_mem>> -> memref<1x!tpu.dma_semaphore, #tpu.memory_space<semaphore_mem>>
    %dma_start3A_67 = tpu.memref_squeeze %dma_start3A_66 : memref<1x!tpu.dma_semaphore, #tpu.memory_space<semaphore_mem>> -> memref<!tpu.dma_semaphore, #tpu.memory_space<semaphore_mem>>
    %dma_start3A_68 = arith.constant 0 : i32
    %dma_start3A_69 = tpu.memref_slice %arg5[%dma_start3A_60, %dma_start3A_68] : memref<8x200xi32, #tpu.memory_space<vmem>> -> memref<1x200xi32, #tpu.memory_space<vmem>>
    %dma_start3A_70 = tpu.memref_squeeze %dma_start3A_69 : memref<1x200xi32, #tpu.memory_space<vmem>> -> memref<200xi32, #tpu.memory_space<vmem>>
    %dma_start3A_71 = tpu.memref_slice %arg2[%add3A_59] : memref<819200xi32, #tpu.memory_space<hbm>> -> memref<200xi32, #tpu.memory_space<hbm>>
    tpu.enqueue_dma source(%dma_start3A_71 : memref<200xi32, #tpu.memory_space<hbm>>) target(%dma_start3A_70 : memref<200xi32, #tpu.memory_space<vmem>>) target_semaphore(%dma_start3A_67 : memref<!tpu.dma_semaphore, #tpu.memory_space<semaphore_mem>>)
    %add3A_72 = arith.constant 1000 : i32
    %add3A_73 = arith.addi %mul3A_2, %add3A_72 : i32
    %dma_start3A_74 = arith.constant 5 : i32
    %dma_start3A_75 = arith.constant 5 : i32
    %dma_start3A_76 = arith.constant 0 : i32
    %dma_start3A_77 = tpu.memref_slice %arg5[%dma_start3A_74, %dma_start3A_76] : memref<8x200xi32, #tpu.memory_space<vmem>> -> memref<1x200xi32, #tpu.memory_space<vmem>>
    %dma_start3A_78 = tpu.memref_squeeze %dma_start3A_77 : memref<1x200xi32, #tpu.memory_space<vmem>> -> memref<200xi32, #tpu.memory_space<vmem>>
    %dma_start3A_79 = tpu.memref_slice %arg2[%add3A_73] : memref<819200xi32, #tpu.memory_space<hbm>> -> memref<200xi32, #tpu.memory_space<hbm>>
    %dma_start3A_80 = tpu.memref_slice %arg7[%dma_start3A_75] : memref<8x!tpu.dma_semaphore, #tpu.memory_space<semaphore_mem>> -> memref<1x!tpu.dma_semaphore, #tpu.memory_space<semaphore_mem>>
    %dma_start3A_81 = tpu.memref_squeeze %dma_start3A_80 : memref<1x!tpu.dma_semaphore, #tpu.memory_space<semaphore_mem>> -> memref<!tpu.dma_semaphore, #tpu.memory_space<semaphore_mem>>
    %dma_start3A_82 = arith.constant 0 : i32
    %dma_start3A_83 = tpu.memref_slice %arg5[%dma_start3A_74, %dma_start3A_82] : memref<8x200xi32, #tpu.memory_space<vmem>> -> memref<1x200xi32, #tpu.memory_space<vmem>>
    %dma_start3A_84 = tpu.memref_squeeze %dma_start3A_83 : memref<1x200xi32, #tpu.memory_space<vmem>> -> memref<200xi32, #tpu.memory_space<vmem>>
    %dma_start3A_85 = tpu.memref_slice %arg2[%add3A_73] : memref<819200xi32, #tpu.memory_space<hbm>> -> memref<200xi32, #tpu.memory_space<hbm>>
    tpu.enqueue_dma source(%dma_start3A_85 : memref<200xi32, #tpu.memory_space<hbm>>) target(%dma_start3A_84 : memref<200xi32, #tpu.memory_space<vmem>>) target_semaphore(%dma_start3A_81 : memref<!tpu.dma_semaphore, #tpu.memory_space<semaphore_mem>>)
    %add3A_86 = arith.constant 1200 : i32
    %add3A_87 = arith.addi %mul3A_2, %add3A_86 : i32
    %dma_start3A_88 = arith.constant 6 : i32
    %dma_start3A_89 = arith.constant 6 : i32
    %dma_start3A_90 = arith.constant 0 : i32
    %dma_start3A_91 = tpu.memref_slice %arg5[%dma_start3A_88, %dma_start3A_90] : memref<8x200xi32, #tpu.memory_space<vmem>> -> memref<1x200xi32, #tpu.memory_space<vmem>>
    %dma_start3A_92 = tpu.memref_squeeze %dma_start3A_91 : memref<1x200xi32, #tpu.memory_space<vmem>> -> memref<200xi32, #tpu.memory_space<vmem>>
    %dma_start3A_93 = tpu.memref_slice %arg2[%add3A_87] : memref<819200xi32, #tpu.memory_space<hbm>> -> memref<200xi32, #tpu.memory_space<hbm>>
    %dma_start3A_94 = tpu.memref_slice %arg7[%dma_start3A_89] : memref<8x!tpu.dma_semaphore, #tpu.memory_space<semaphore_mem>> -> memref<1x!tpu.dma_semaphore, #tpu.memory_space<semaphore_mem>>
    %dma_start3A_95 = tpu.memref_squeeze %dma_start3A_94 : memref<1x!tpu.dma_semaphore, #tpu.memory_space<semaphore_mem>> -> memref<!tpu.dma_semaphore, #tpu.memory_space<semaphore_mem>>
    %dma_start3A_96 = arith.constant 0 : i32
    %dma_start3A_97 = tpu.memref_slice %arg5[%dma_start3A_88, %dma_start3A_96] : memref<8x200xi32, #tpu.memory_space<vmem>> -> memref<1x200xi32, #tpu.memory_space<vmem>>
    %dma_start3A_98 = tpu.memref_squeeze %dma_start3A_97 : memref<1x200xi32, #tpu.memory_space<vmem>> -> memref<200xi32, #tpu.memory_space<vmem>>
    %dma_start3A_99 = tpu.memref_slice %arg2[%add3A_87] : memref<819200xi32, #tpu.memory_space<hbm>> -> memref<200xi32, #tpu.memory_space<hbm>>
    tpu.enqueue_dma source(%dma_start3A_99 : memref<200xi32, #tpu.memory_space<hbm>>) target(%dma_start3A_98 : memref<200xi32, #tpu.memory_space<vmem>>) target_semaphore(%dma_start3A_95 : memref<!tpu.dma_semaphore, #tpu.memory_space<semaphore_mem>>)
    %add3A_100 = arith.constant 1400 : i32
    %add3A_101 = arith.addi %mul3A_2, %add3A_100 : i32
    %dma_start3A_102 = arith.constant 7 : i32
    %dma_start3A_103 = arith.constant 7 : i32
    %dma_start3A_104 = arith.constant 0 : i32
    %dma_start3A_105 = tpu.memref_slice %arg5[%dma_start3A_102, %dma_start3A_104] : memref<8x200xi32, #tpu.memory_space<vmem>> -> memref<1x200xi32, #tpu.memory_space<vmem>>
    %dma_start3A_106 = tpu.memref_squeeze %dma_start3A_105 : memref<1x200xi32, #tpu.memory_space<vmem>> -> memref<200xi32, #tpu.memory_space<vmem>>
    %dma_start3A_107 = tpu.memref_slice %arg2[%add3A_101] : memref<819200xi32, #tpu.memory_space<hbm>> -> memref<200xi32, #tpu.memory_space<hbm>>
    %dma_start3A_108 = tpu.memref_slice %arg7[%dma_start3A_103] : memref<8x!tpu.dma_semaphore, #tpu.memory_space<semaphore_mem>> -> memref<1x!tpu.dma_semaphore, #tpu.memory_space<semaphore_mem>>
    %dma_start3A_109 = tpu.memref_squeeze %dma_start3A_108 : memref<1x!tpu.dma_semaphore, #tpu.memory_space<semaphore_mem>> -> memref<!tpu.dma_semaphore, #tpu.memory_space<semaphore_mem>>
    %dma_start3A_110 = arith.constant 0 : i32
    %dma_start3A_111 = tpu.memref_slice %arg5[%dma_start3A_102, %dma_start3A_110] : memref<8x200xi32, #tpu.memory_space<vmem>> -> memref<1x200xi32, #tpu.memory_space<vmem>>
    %dma_start3A_112 = tpu.memref_squeeze %dma_start3A_111 : memref<1x200xi32, #tpu.memory_space<vmem>> -> memref<200xi32, #tpu.memory_space<vmem>>
    %dma_start3A_113 = tpu.memref_slice %arg2[%add3A_101] : memref<819200xi32, #tpu.memory_space<hbm>> -> memref<200xi32, #tpu.memory_space<hbm>>
    tpu.enqueue_dma source(%dma_start3A_113 : memref<200xi32, #tpu.memory_space<hbm>>) target(%dma_start3A_112 : memref<200xi32, #tpu.memory_space<vmem>>) target_semaphore(%dma_start3A_109 : memref<!tpu.dma_semaphore, #tpu.memory_space<semaphore_mem>>)
    %scan3A = arith.constant 0 : i32
    %scan3A_114 = arith.constant 0 : i32
    %scan3A_115 = arith.constant 16 : i32
    %scan3A_116 = arith.addi %scan3A_114, %scan3A_115 : i32
    %scan3A_117 = arith.constant 1 : i32
    scf.for %scan3A_328 = %scan3A_114 to %scan3A_116 step %scan3A_117  : i32 {
      %mul3A_329 = arith.constant 8 : i32
      %mul3A_330 = arith.muli %scan3A_328, %mul3A_329 : i32
      %add3A_331 = arith.constant 0 : i32
      %add3A_332 = arith.addi %mul3A_330, %add3A_331 : i32
      %gt3A = arith.constant 0 : i32
      %gt3A_333 = arith.cmpi sgt, %scan3A_328, %gt3A : i32
      %convert_element_type3A = arith.extui %gt3A_333 : i1 to i32
      %cond3A = arith.constant 0 : i32
      %cond3A_334 = arith.cmpi ne, %convert_element_type3A, %cond3A : i32
      scf.if %cond3A_334 {
        %dma_wait3A_884 = arith.constant 6 : i32
        %dma_wait3A_885 = arith.constant 6 : i32
        %dma_wait3A_886 = arith.constant 6 : i32
        %dma_wait3A_887 = arith.constant 0 : i32
        %dma_wait3A_888 = arith.constant 0 : i32
        %dma_wait3A_889 = tpu.memref_slice %arg6[%dma_wait3A_885, %dma_wait3A_887, %dma_wait3A_888] : memref<8x200x64xf32, #tpu.memory_space<vmem>> -> memref<1x200x64xf32, #tpu.memory_space<vmem>>
        %dma_wait3A_890 = tpu.memref_squeeze %dma_wait3A_889 : memref<1x200x64xf32, #tpu.memory_space<vmem>> -> memref<200x64xf32, #tpu.memory_space<vmem>>
        %dma_wait3A_891 = arith.constant 0 : i32
        %dma_wait3A_892 = tpu.memref_slice %arg5[%dma_wait3A_884, %dma_wait3A_891] : memref<8x200xi32, #tpu.memory_space<vmem>> -> memref<1x200xi32, #tpu.memory_space<vmem>>
        %dma_wait3A_893 = tpu.memref_squeeze %dma_wait3A_892 : memref<1x200xi32, #tpu.memory_space<vmem>> -> memref<200xi32, #tpu.memory_space<vmem>>
        %dma_wait3A_894 = arith.constant 0 : i32
        %dma_wait3A_895 = arith.constant 0 : i32
        %dma_wait3A_896 = tpu.memref_slice %arg3[%dma_wait3A_894, %dma_wait3A_895] : memref<1000000x64xf32, #tpu.memory_space<hbm>> -> memref<1000000x64xf32, #tpu.memory_space<hbm>>
        %dma_wait3A_897 = tpu.memref_slice %arg8[%dma_wait3A_886] : memref<8x!tpu.dma_semaphore, #tpu.memory_space<semaphore_mem>> -> memref<1x!tpu.dma_semaphore, #tpu.memory_space<semaphore_mem>>
        %dma_wait3A_898 = tpu.memref_squeeze %dma_wait3A_897 : memref<1x!tpu.dma_semaphore, #tpu.memory_space<semaphore_mem>> -> memref<!tpu.dma_semaphore, #tpu.memory_space<semaphore_mem>>
        tpu.wait_indirect_dma semaphore(%dma_wait3A_898 : memref<!tpu.dma_semaphore, #tpu.memory_space<semaphore_mem>>) src(%dma_wait3A_896 : memref<1000000x64xf32, #tpu.memory_space<hbm>>) dst(%dma_wait3A_890 : memref<200x64xf32, #tpu.memory_space<vmem>>)
        %sub3A_899 = arith.constant 2 : i32
        %sub3A_900 = arith.subi %add3A_332, %sub3A_899 : i32
        %add3A_901 = arith.constant 8 : i32
        %add3A_902 = arith.addi %sub3A_900, %add3A_901 : i32
        %mul3A_903 = arith.constant 200 : i32
        %mul3A_904 = arith.muli %add3A_902, %mul3A_903 : i32
        %add3A_905 = arith.addi %mul3A_2, %mul3A_904 : i32
        %dma_start3A_906 = arith.constant 6 : i32
        %dma_start3A_907 = arith.constant 6 : i32
        %dma_start3A_908 = arith.constant 0 : i32
        %dma_start3A_909 = tpu.memref_slice %arg5[%dma_start3A_906, %dma_start3A_908] : memref<8x200xi32, #tpu.memory_space<vmem>> -> memref<1x200xi32, #tpu.memory_space<vmem>>
        %dma_start3A_910 = tpu.memref_squeeze %dma_start3A_909 : memref<1x200xi32, #tpu.memory_space<vmem>> -> memref<200xi32, #tpu.memory_space<vmem>>
        %dma_start3A_911 = tpu.memref_slice %arg2[%add3A_905] : memref<819200xi32, #tpu.memory_space<hbm>> -> memref<200xi32, #tpu.memory_space<hbm>>
        %dma_start3A_912 = tpu.memref_slice %arg7[%dma_start3A_907] : memref<8x!tpu.dma_semaphore, #tpu.memory_space<semaphore_mem>> -> memref<1x!tpu.dma_semaphore, #tpu.memory_space<semaphore_mem>>
        %dma_start3A_913 = tpu.memref_squeeze %dma_start3A_912 : memref<1x!tpu.dma_semaphore, #tpu.memory_space<semaphore_mem>> -> memref<!tpu.dma_semaphore, #tpu.memory_space<semaphore_mem>>
        %dma_start3A_914 = arith.constant 0 : i32
        %dma_start3A_915 = tpu.memref_slice %arg5[%dma_start3A_906, %dma_start3A_914] : memref<8x200xi32, #tpu.memory_space<vmem>> -> memref<1x200xi32, #tpu.memory_space<vmem>>
        %dma_start3A_916 = tpu.memref_squeeze %dma_start3A_915 : memref<1x200xi32, #tpu.memory_space<vmem>> -> memref<200xi32, #tpu.memory_space<vmem>>
        %dma_start3A_917 = tpu.memref_slice %arg2[%add3A_905] : memref<819200xi32, #tpu.memory_space<hbm>> -> memref<200xi32, #tpu.memory_space<hbm>>
        tpu.enqueue_dma source(%dma_start3A_917 : memref<200xi32, #tpu.memory_space<hbm>>) target(%dma_start3A_916 : memref<200xi32, #tpu.memory_space<vmem>>) target_semaphore(%dma_start3A_913 : memref<!tpu.dma_semaphore, #tpu.memory_space<semaphore_mem>>)
        %sub3A_918 = arith.constant 2 : i32
        %sub3A_919 = arith.subi %add3A_332, %sub3A_918 : i32
        %mul3A_920 = arith.constant 200 : i32
        %mul3A_921 = arith.muli %sub3A_919, %mul3A_920 : i32
        %add3A_922 = arith.addi %mul3A_2, %mul3A_921 : i32
        %dma_start3A_923 = arith.constant 6 : i32
        %dma_start3A_924 = arith.constant 6 : i32
        %dma_start3A_925 = arith.constant 0 : i32
        %dma_start3A_926 = arith.constant 0 : i32
        %dma_start3A_927 = tpu.memref_slice %arg6[%dma_start3A_923, %dma_start3A_925, %dma_start3A_926] : memref<8x200x64xf32, #tpu.memory_space<vmem>> -> memref<1x200x64xf32, #tpu.memory_space<vmem>>
        %dma_start3A_928 = tpu.memref_squeeze %dma_start3A_927 : memref<1x200x64xf32, #tpu.memory_space<vmem>> -> memref<200x64xf32, #tpu.memory_space<vmem>>
        %dma_start3A_929 = arith.constant 0 : i32
        %dma_start3A_930 = tpu.memref_slice %arg4[%add3A_922, %dma_start3A_929] : memref<819200x64xf32, #tpu.memory_space<hbm>> -> memref<200x64xf32, #tpu.memory_space<hbm>>
        %dma_start3A_931 = tpu.memref_slice %arg9[%dma_start3A_924] : memref<8x!tpu.dma_semaphore, #tpu.memory_space<semaphore_mem>> -> memref<1x!tpu.dma_semaphore, #tpu.memory_space<semaphore_mem>>
        %dma_start3A_932 = tpu.memref_squeeze %dma_start3A_931 : memref<1x!tpu.dma_semaphore, #tpu.memory_space<semaphore_mem>> -> memref<!tpu.dma_semaphore, #tpu.memory_space<semaphore_mem>>
        %dma_start3A_933 = arith.constant 0 : i32
        %dma_start3A_934 = tpu.memref_slice %arg4[%add3A_922, %dma_start3A_933] : memref<819200x64xf32, #tpu.memory_space<hbm>> -> memref<200x64xf32, #tpu.memory_space<hbm>>
        %dma_start3A_935 = arith.constant 0 : i32
        %dma_start3A_936 = arith.constant 0 : i32
        %dma_start3A_937 = tpu.memref_slice %arg6[%dma_start3A_923, %dma_start3A_935, %dma_start3A_936] : memref<8x200x64xf32, #tpu.memory_space<vmem>> -> memref<1x200x64xf32, #tpu.memory_space<vmem>>
        %dma_start3A_938 = tpu.memref_squeeze %dma_start3A_937 : memref<1x200x64xf32, #tpu.memory_space<vmem>> -> memref<200x64xf32, #tpu.memory_space<vmem>>
        tpu.enqueue_dma source(%dma_start3A_938 : memref<200x64xf32, #tpu.memory_space<vmem>>) target(%dma_start3A_934 : memref<200x64xf32, #tpu.memory_space<hbm>>) target_semaphore(%dma_start3A_932 : memref<!tpu.dma_semaphore, #tpu.memory_space<semaphore_mem>>)
      } else {
      }
      %gt3A_335 = arith.constant 0 : i32
      %gt3A_336 = arith.cmpi sgt, %scan3A_328, %gt3A_335 : i32
      %convert_element_type3A_337 = arith.extui %gt3A_336 : i1 to i32
      %cond3A_338 = arith.constant 0 : i32
      %cond3A_339 = arith.cmpi ne, %convert_element_type3A_337, %cond3A_338 : i32
      scf.if %cond3A_339 {
        %dma_wait3A_884 = arith.constant 0 : i32
        %dma_wait3A_885 = arith.constant 0 : i32
        %dma_wait3A_886 = arith.constant 0 : i32
        %dma_wait3A_887 = arith.constant 0 : i32
        %dma_wait3A_888 = tpu.memref_slice %arg6[%dma_wait3A_884, %dma_wait3A_886, %dma_wait3A_887] : memref<8x200x64xf32, #tpu.memory_space<vmem>> -> memref<1x200x64xf32, #tpu.memory_space<vmem>>
        %dma_wait3A_889 = tpu.memref_squeeze %dma_wait3A_888 : memref<1x200x64xf32, #tpu.memory_space<vmem>> -> memref<200x64xf32, #tpu.memory_space<vmem>>
        %dma_wait3A_890 = arith.constant 0 : i32
        %dma_wait3A_891 = arith.constant 0 : i32
        %dma_wait3A_892 = tpu.memref_slice %arg4[%dma_wait3A_890, %dma_wait3A_891] : memref<819200x64xf32, #tpu.memory_space<hbm>> -> memref<200x64xf32, #tpu.memory_space<hbm>>
        %dma_wait3A_893 = tpu.memref_slice %arg9[%dma_wait3A_885] : memref<8x!tpu.dma_semaphore, #tpu.memory_space<semaphore_mem>> -> memref<1x!tpu.dma_semaphore, #tpu.memory_space<semaphore_mem>>
        %dma_wait3A_894 = tpu.memref_squeeze %dma_wait3A_893 : memref<1x!tpu.dma_semaphore, #tpu.memory_space<semaphore_mem>> -> memref<!tpu.dma_semaphore, #tpu.memory_space<semaphore_mem>>
        %dma_wait3A_895 = arith.constant 0 : i32
        %dma_wait3A_896 = arith.constant 0 : i32
        %dma_wait3A_897 = tpu.memref_slice %arg4[%dma_wait3A_895, %dma_wait3A_896] : memref<819200x64xf32, #tpu.memory_space<hbm>> -> memref<200x64xf32, #tpu.memory_space<hbm>>
        %dma_wait3A_898 = arith.constant 0 : i32
        %dma_wait3A_899 = arith.constant 0 : i32
        %dma_wait3A_900 = tpu.memref_slice %arg6[%dma_wait3A_884, %dma_wait3A_898, %dma_wait3A_899] : memref<8x200x64xf32, #tpu.memory_space<vmem>> -> memref<1x200x64xf32, #tpu.memory_space<vmem>>
        %dma_wait3A_901 = tpu.memref_squeeze %dma_wait3A_900 : memref<1x200x64xf32, #tpu.memory_space<vmem>> -> memref<200x64xf32, #tpu.memory_space<vmem>>
        tpu.wait_dma2 semaphore(%dma_wait3A_894 : memref<!tpu.dma_semaphore, #tpu.memory_space<semaphore_mem>>) src(%dma_wait3A_901 : memref<200x64xf32, #tpu.memory_space<vmem>>) dst(%dma_wait3A_897 : memref<200x64xf32, #tpu.memory_space<hbm>>)
      } else {
      }
      %dma_wait3A_340 = arith.constant 0 : i32
      %dma_wait3A_341 = arith.constant 0 : i32
      %dma_wait3A_342 = arith.constant 0 : i32
      %dma_wait3A_343 = tpu.memref_slice %arg5[%dma_wait3A_340, %dma_wait3A_342] : memref<8x200xi32, #tpu.memory_space<vmem>> -> memref<1x200xi32, #tpu.memory_space<vmem>>
      %dma_wait3A_344 = tpu.memref_squeeze %dma_wait3A_343 : memref<1x200xi32, #tpu.memory_space<vmem>> -> memref<200xi32, #tpu.memory_space<vmem>>
      %dma_wait3A_345 = arith.constant 0 : i32
      %dma_wait3A_346 = tpu.memref_slice %arg2[%dma_wait3A_345] : memref<819200xi32, #tpu.memory_space<hbm>> -> memref<200xi32, #tpu.memory_space<hbm>>
      %dma_wait3A_347 = tpu.memref_slice %arg7[%dma_wait3A_341] : memref<8x!tpu.dma_semaphore, #tpu.memory_space<semaphore_mem>> -> memref<1x!tpu.dma_semaphore, #tpu.memory_space<semaphore_mem>>
      %dma_wait3A_348 = tpu.memref_squeeze %dma_wait3A_347 : memref<1x!tpu.dma_semaphore, #tpu.memory_space<semaphore_mem>> -> memref<!tpu.dma_semaphore, #tpu.memory_space<semaphore_mem>>
      %dma_wait3A_349 = arith.constant 0 : i32
      %dma_wait3A_350 = tpu.memref_slice %arg5[%dma_wait3A_340, %dma_wait3A_349] : memref<8x200xi32, #tpu.memory_space<vmem>> -> memref<1x200xi32, #tpu.memory_space<vmem>>
      %dma_wait3A_351 = tpu.memref_squeeze %dma_wait3A_350 : memref<1x200xi32, #tpu.memory_space<vmem>> -> memref<200xi32, #tpu.memory_space<vmem>>
      %dma_wait3A_352 = arith.constant 0 : i32
      %dma_wait3A_353 = tpu.memref_slice %arg2[%dma_wait3A_352] : memref<819200xi32, #tpu.memory_space<hbm>> -> memref<200xi32, #tpu.memory_space<hbm>>
      tpu.wait_dma2 semaphore(%dma_wait3A_348 : memref<!tpu.dma_semaphore, #tpu.memory_space<semaphore_mem>>) src(%dma_wait3A_353 : memref<200xi32, #tpu.memory_space<hbm>>) dst(%dma_wait3A_351 : memref<200xi32, #tpu.memory_space<vmem>>)
      %dma_start3A_354 = arith.constant 0 : i32
      %dma_start3A_355 = arith.constant 0 : i32
      %dma_start3A_356 = arith.constant 0 : i32
      %dma_start3A_357 = arith.constant 0 : i32
      %dma_start3A_358 = arith.constant 0 : i32
      %dma_start3A_359 = tpu.memref_slice %arg6[%dma_start3A_355, %dma_start3A_357, %dma_start3A_358] : memref<8x200x64xf32, #tpu.memory_space<vmem>> -> memref<1x200x64xf32, #tpu.memory_space<vmem>>
      %dma_start3A_360 = tpu.memref_squeeze %dma_start3A_359 : memref<1x200x64xf32, #tpu.memory_space<vmem>> -> memref<200x64xf32, #tpu.memory_space<vmem>>
      %dma_start3A_361 = arith.constant 0 : i32
      %dma_start3A_362 = tpu.memref_slice %arg5[%dma_start3A_354, %dma_start3A_361] : memref<8x200xi32, #tpu.memory_space<vmem>> -> memref<1x200xi32, #tpu.memory_space<vmem>>
      %dma_start3A_363 = tpu.memref_squeeze %dma_start3A_362 : memref<1x200xi32, #tpu.memory_space<vmem>> -> memref<200xi32, #tpu.memory_space<vmem>>
      %dma_start3A_364 = arith.constant 0 : i32
      %dma_start3A_365 = arith.constant 0 : i32
      %dma_start3A_366 = tpu.memref_slice %arg3[%dma_start3A_364, %dma_start3A_365] : memref<1000000x64xf32, #tpu.memory_space<hbm>> -> memref<1000000x64xf32, #tpu.memory_space<hbm>>
      %dma_start3A_367 = tpu.memref_slice %arg8[%dma_start3A_356] : memref<8x!tpu.dma_semaphore, #tpu.memory_space<semaphore_mem>> -> memref<1x!tpu.dma_semaphore, #tpu.memory_space<semaphore_mem>>
      %dma_start3A_368 = tpu.memref_squeeze %dma_start3A_367 : memref<1x!tpu.dma_semaphore, #tpu.memory_space<semaphore_mem>> -> memref<!tpu.dma_semaphore, #tpu.memory_space<semaphore_mem>>
      tpu.enqueue_indirect_dma source(%dma_start3A_366 : memref<1000000x64xf32, #tpu.memory_space<hbm>>) target(%dma_start3A_360 : memref<200x64xf32, #tpu.memory_space<vmem>>) offsets(%dma_start3A_363 : memref<200xi32, #tpu.memory_space<vmem>>) semaphore(%dma_start3A_368 : memref<!tpu.dma_semaphore, #tpu.memory_space<semaphore_mem>>)
      %mul3A_369 = arith.constant 8 : i32
      %mul3A_370 = arith.muli %scan3A_328, %mul3A_369 : i32
      %add3A_371 = arith.constant 1 : i32
      %add3A_372 = arith.addi %mul3A_370, %add3A_371 : i32
      %gt3A_373 = arith.constant 0 : i32
      %gt3A_374 = arith.cmpi sgt, %scan3A_328, %gt3A_373 : i32
      %convert_element_type3A_375 = arith.extui %gt3A_374 : i1 to i32
      %cond3A_376 = arith.constant 0 : i32
      %cond3A_377 = arith.cmpi ne, %convert_element_type3A_375, %cond3A_376 : i32
      scf.if %cond3A_377 {
        %dma_wait3A_884 = arith.constant 7 : i32
        %dma_wait3A_885 = arith.constant 7 : i32
        %dma_wait3A_886 = arith.constant 7 : i32
        %dma_wait3A_887 = arith.constant 0 : i32
        %dma_wait3A_888 = arith.constant 0 : i32
        %dma_wait3A_889 = tpu.memref_slice %arg6[%dma_wait3A_885, %dma_wait3A_887, %dma_wait3A_888] : memref<8x200x64xf32, #tpu.memory_space<vmem>> -> memref<1x200x64xf32, #tpu.memory_space<vmem>>
        %dma_wait3A_890 = tpu.memref_squeeze %dma_wait3A_889 : memref<1x200x64xf32, #tpu.memory_space<vmem>> -> memref<200x64xf32, #tpu.memory_space<vmem>>
        %dma_wait3A_891 = arith.constant 0 : i32
        %dma_wait3A_892 = tpu.memref_slice %arg5[%dma_wait3A_884, %dma_wait3A_891] : memref<8x200xi32, #tpu.memory_space<vmem>> -> memref<1x200xi32, #tpu.memory_space<vmem>>
        %dma_wait3A_893 = tpu.memref_squeeze %dma_wait3A_892 : memref<1x200xi32, #tpu.memory_space<vmem>> -> memref<200xi32, #tpu.memory_space<vmem>>
        %dma_wait3A_894 = arith.constant 0 : i32
        %dma_wait3A_895 = arith.constant 0 : i32
        %dma_wait3A_896 = tpu.memref_slice %arg3[%dma_wait3A_894, %dma_wait3A_895] : memref<1000000x64xf32, #tpu.memory_space<hbm>> -> memref<1000000x64xf32, #tpu.memory_space<hbm>>
        %dma_wait3A_897 = tpu.memref_slice %arg8[%dma_wait3A_886] : memref<8x!tpu.dma_semaphore, #tpu.memory_space<semaphore_mem>> -> memref<1x!tpu.dma_semaphore, #tpu.memory_space<semaphore_mem>>
        %dma_wait3A_898 = tpu.memref_squeeze %dma_wait3A_897 : memref<1x!tpu.dma_semaphore, #tpu.memory_space<semaphore_mem>> -> memref<!tpu.dma_semaphore, #tpu.memory_space<semaphore_mem>>
        tpu.wait_indirect_dma semaphore(%dma_wait3A_898 : memref<!tpu.dma_semaphore, #tpu.memory_space<semaphore_mem>>) src(%dma_wait3A_896 : memref<1000000x64xf32, #tpu.memory_space<hbm>>) dst(%dma_wait3A_890 : memref<200x64xf32, #tpu.memory_space<vmem>>)
        %sub3A_899 = arith.constant 2 : i32
        %sub3A_900 = arith.subi %add3A_372, %sub3A_899 : i32
        %add3A_901 = arith.constant 8 : i32
        %add3A_902 = arith.addi %sub3A_900, %add3A_901 : i32
        %mul3A_903 = arith.constant 200 : i32
        %mul3A_904 = arith.muli %add3A_902, %mul3A_903 : i32
        %add3A_905 = arith.addi %mul3A_2, %mul3A_904 : i32
        %dma_start3A_906 = arith.constant 7 : i32
        %dma_start3A_907 = arith.constant 7 : i32
        %dma_start3A_908 = arith.constant 0 : i32
        %dma_start3A_909 = tpu.memref_slice %arg5[%dma_start3A_906, %dma_start3A_908] : memref<8x200xi32, #tpu.memory_space<vmem>> -> memref<1x200xi32, #tpu.memory_space<vmem>>
        %dma_start3A_910 = tpu.memref_squeeze %dma_start3A_909 : memref<1x200xi32, #tpu.memory_space<vmem>> -> memref<200xi32, #tpu.memory_space<vmem>>
        %dma_start3A_911 = tpu.memref_slice %arg2[%add3A_905] : memref<819200xi32, #tpu.memory_space<hbm>> -> memref<200xi32, #tpu.memory_space<hbm>>
        %dma_start3A_912 = tpu.memref_slice %arg7[%dma_start3A_907] : memref<8x!tpu.dma_semaphore, #tpu.memory_space<semaphore_mem>> -> memref<1x!tpu.dma_semaphore, #tpu.memory_space<semaphore_mem>>
        %dma_start3A_913 = tpu.memref_squeeze %dma_start3A_912 : memref<1x!tpu.dma_semaphore, #tpu.memory_space<semaphore_mem>> -> memref<!tpu.dma_semaphore, #tpu.memory_space<semaphore_mem>>
        %dma_start3A_914 = arith.constant 0 : i32
        %dma_start3A_915 = tpu.memref_slice %arg5[%dma_start3A_906, %dma_start3A_914] : memref<8x200xi32, #tpu.memory_space<vmem>> -> memref<1x200xi32, #tpu.memory_space<vmem>>
        %dma_start3A_916 = tpu.memref_squeeze %dma_start3A_915 : memref<1x200xi32, #tpu.memory_space<vmem>> -> memref<200xi32, #tpu.memory_space<vmem>>
        %dma_start3A_917 = tpu.memref_slice %arg2[%add3A_905] : memref<819200xi32, #tpu.memory_space<hbm>> -> memref<200xi32, #tpu.memory_space<hbm>>
        tpu.enqueue_dma source(%dma_start3A_917 : memref<200xi32, #tpu.memory_space<hbm>>) target(%dma_start3A_916 : memref<200xi32, #tpu.memory_space<vmem>>) target_semaphore(%dma_start3A_913 : memref<!tpu.dma_semaphore, #tpu.memory_space<semaphore_mem>>)
        %sub3A_918 = arith.constant 2 : i32
        %sub3A_919 = arith.subi %add3A_372, %sub3A_918 : i32
        %mul3A_920 = arith.constant 200 : i32
        %mul3A_921 = arith.muli %sub3A_919, %mul3A_920 : i32
        %add3A_922 = arith.addi %mul3A_2, %mul3A_921 : i32
        %dma_start3A_923 = arith.constant 7 : i32
        %dma_start3A_924 = arith.constant 7 : i32
        %dma_start3A_925 = arith.constant 0 : i32
        %dma_start3A_926 = arith.constant 0 : i32
        %dma_start3A_927 = tpu.memref_slice %arg6[%dma_start3A_923, %dma_start3A_925, %dma_start3A_926] : memref<8x200x64xf32, #tpu.memory_space<vmem>> -> memref<1x200x64xf32, #tpu.memory_space<vmem>>
        %dma_start3A_928 = tpu.memref_squeeze %dma_start3A_927 : memref<1x200x64xf32, #tpu.memory_space<vmem>> -> memref<200x64xf32, #tpu.memory_space<vmem>>
        %dma_start3A_929 = arith.constant 0 : i32
        %dma_start3A_930 = tpu.memref_slice %arg4[%add3A_922, %dma_start3A_929] : memref<819200x64xf32, #tpu.memory_space<hbm>> -> memref<200x64xf32, #tpu.memory_space<hbm>>
        %dma_start3A_931 = tpu.memref_slice %arg9[%dma_start3A_924] : memref<8x!tpu.dma_semaphore, #tpu.memory_space<semaphore_mem>> -> memref<1x!tpu.dma_semaphore, #tpu.memory_space<semaphore_mem>>
        %dma_start3A_932 = tpu.memref_squeeze %dma_start3A_931 : memref<1x!tpu.dma_semaphore, #tpu.memory_space<semaphore_mem>> -> memref<!tpu.dma_semaphore, #tpu.memory_space<semaphore_mem>>
        %dma_start3A_933 = arith.constant 0 : i32
        %dma_start3A_934 = tpu.memref_slice %arg4[%add3A_922, %dma_start3A_933] : memref<819200x64xf32, #tpu.memory_space<hbm>> -> memref<200x64xf32, #tpu.memory_space<hbm>>
        %dma_start3A_935 = arith.constant 0 : i32
        %dma_start3A_936 = arith.constant 0 : i32
        %dma_start3A_937 = tpu.memref_slice %arg6[%dma_start3A_923, %dma_start3A_935, %dma_start3A_936] : memref<8x200x64xf32, #tpu.memory_space<vmem>> -> memref<1x200x64xf32, #tpu.memory_space<vmem>>
        %dma_start3A_938 = tpu.memref_squeeze %dma_start3A_937 : memref<1x200x64xf32, #tpu.memory_space<vmem>> -> memref<200x64xf32, #tpu.memory_space<vmem>>
        tpu.enqueue_dma source(%dma_start3A_938 : memref<200x64xf32, #tpu.memory_space<vmem>>) target(%dma_start3A_934 : memref<200x64xf32, #tpu.memory_space<hbm>>) target_semaphore(%dma_start3A_932 : memref<!tpu.dma_semaphore, #tpu.memory_space<semaphore_mem>>)
      } else {
      }
      %gt3A_378 = arith.constant 0 : i32
      %gt3A_379 = arith.cmpi sgt, %scan3A_328, %gt3A_378 : i32
      %convert_element_type3A_380 = arith.extui %gt3A_379 : i1 to i32
      %cond3A_381 = arith.constant 0 : i32
      %cond3A_382 = arith.cmpi ne, %convert_element_type3A_380, %cond3A_381 : i32
      scf.if %cond3A_382 {
        %dma_wait3A_884 = arith.constant 1 : i32
        %dma_wait3A_885 = arith.constant 1 : i32
        %dma_wait3A_886 = arith.constant 0 : i32
        %dma_wait3A_887 = arith.constant 0 : i32
        %dma_wait3A_888 = tpu.memref_slice %arg6[%dma_wait3A_884, %dma_wait3A_886, %dma_wait3A_887] : memref<8x200x64xf32, #tpu.memory_space<vmem>> -> memref<1x200x64xf32, #tpu.memory_space<vmem>>
        %dma_wait3A_889 = tpu.memref_squeeze %dma_wait3A_888 : memref<1x200x64xf32, #tpu.memory_space<vmem>> -> memref<200x64xf32, #tpu.memory_space<vmem>>
        %dma_wait3A_890 = arith.constant 0 : i32
        %dma_wait3A_891 = arith.constant 0 : i32
        %dma_wait3A_892 = tpu.memref_slice %arg4[%dma_wait3A_890, %dma_wait3A_891] : memref<819200x64xf32, #tpu.memory_space<hbm>> -> memref<200x64xf32, #tpu.memory_space<hbm>>
        %dma_wait3A_893 = tpu.memref_slice %arg9[%dma_wait3A_885] : memref<8x!tpu.dma_semaphore, #tpu.memory_space<semaphore_mem>> -> memref<1x!tpu.dma_semaphore, #tpu.memory_space<semaphore_mem>>
        %dma_wait3A_894 = tpu.memref_squeeze %dma_wait3A_893 : memref<1x!tpu.dma_semaphore, #tpu.memory_space<semaphore_mem>> -> memref<!tpu.dma_semaphore, #tpu.memory_space<semaphore_mem>>
        %dma_wait3A_895 = arith.constant 0 : i32
        %dma_wait3A_896 = arith.constant 0 : i32
        %dma_wait3A_897 = tpu.memref_slice %arg4[%dma_wait3A_895, %dma_wait3A_896] : memref<819200x64xf32, #tpu.memory_space<hbm>> -> memref<200x64xf32, #tpu.memory_space<hbm>>
        %dma_wait3A_898 = arith.constant 0 : i32
        %dma_wait3A_899 = arith.constant 0 : i32
        %dma_wait3A_900 = tpu.memref_slice %arg6[%dma_wait3A_884, %dma_wait3A_898, %dma_wait3A_899] : memref<8x200x64xf32, #tpu.memory_space<vmem>> -> memref<1x200x64xf32, #tpu.memory_space<vmem>>
        %dma_wait3A_901 = tpu.memref_squeeze %dma_wait3A_900 : memref<1x200x64xf32, #tpu.memory_space<vmem>> -> memref<200x64xf32, #tpu.memory_space<vmem>>
        tpu.wait_dma2 semaphore(%dma_wait3A_894 : memref<!tpu.dma_semaphore, #tpu.memory_space<semaphore_mem>>) src(%dma_wait3A_901 : memref<200x64xf32, #tpu.memory_space<vmem>>) dst(%dma_wait3A_897 : memref<200x64xf32, #tpu.memory_space<hbm>>)
      } else {
      }
      %dma_wait3A_383 = arith.constant 1 : i32
      %dma_wait3A_384 = arith.constant 1 : i32
      %dma_wait3A_385 = arith.constant 0 : i32
      %dma_wait3A_386 = tpu.memref_slice %arg5[%dma_wait3A_383, %dma_wait3A_385] : memref<8x200xi32, #tpu.memory_space<vmem>> -> memref<1x200xi32, #tpu.memory_space<vmem>>
      %dma_wait3A_387 = tpu.memref_squeeze %dma_wait3A_386 : memref<1x200xi32, #tpu.memory_space<vmem>> -> memref<200xi32, #tpu.memory_space<vmem>>
      %dma_wait3A_388 = arith.constant 0 : i32
      %dma_wait3A_389 = tpu.memref_slice %arg2[%dma_wait3A_388] : memref<819200xi32, #tpu.memory_space<hbm>> -> memref<200xi32, #tpu.memory_space<hbm>>
      %dma_wait3A_390 = tpu.memref_slice %arg7[%dma_wait3A_384] : memref<8x!tpu.dma_semaphore, #tpu.memory_space<semaphore_mem>> -> memref<1x!tpu.dma_semaphore, #tpu.memory_space<semaphore_mem>>
      %dma_wait3A_391 = tpu.memref_squeeze %dma_wait3A_390 : memref<1x!tpu.dma_semaphore, #tpu.memory_space<semaphore_mem>> -> memref<!tpu.dma_semaphore, #tpu.memory_space<semaphore_mem>>
      %dma_wait3A_392 = arith.constant 0 : i32
      %dma_wait3A_393 = tpu.memref_slice %arg5[%dma_wait3A_383, %dma_wait3A_392] : memref<8x200xi32, #tpu.memory_space<vmem>> -> memref<1x200xi32, #tpu.memory_space<vmem>>
      %dma_wait3A_394 = tpu.memref_squeeze %dma_wait3A_393 : memref<1x200xi32, #tpu.memory_space<vmem>> -> memref<200xi32, #tpu.memory_space<vmem>>
      %dma_wait3A_395 = arith.constant 0 : i32
      %dma_wait3A_396 = tpu.memref_slice %arg2[%dma_wait3A_395] : memref<819200xi32, #tpu.memory_space<hbm>> -> memref<200xi32, #tpu.memory_space<hbm>>
      tpu.wait_dma2 semaphore(%dma_wait3A_391 : memref<!tpu.dma_semaphore, #tpu.memory_space<semaphore_mem>>) src(%dma_wait3A_396 : memref<200xi32, #tpu.memory_space<hbm>>) dst(%dma_wait3A_394 : memref<200xi32, #tpu.memory_space<vmem>>)
      %dma_start3A_397 = arith.constant 1 : i32
      %dma_start3A_398 = arith.constant 1 : i32
      %dma_start3A_399 = arith.constant 1 : i32
      %dma_start3A_400 = arith.constant 0 : i32
      %dma_start3A_401 = arith.constant 0 : i32
      %dma_start3A_402 = tpu.memref_slice %arg6[%dma_start3A_398, %dma_start3A_400, %dma_start3A_401] : memref<8x200x64xf32, #tpu.memory_space<vmem>> -> memref<1x200x64xf32, #tpu.memory_space<vmem>>
      %dma_start3A_403 = tpu.memref_squeeze %dma_start3A_402 : memref<1x200x64xf32, #tpu.memory_space<vmem>> -> memref<200x64xf32, #tpu.memory_space<vmem>>
      %dma_start3A_404 = arith.constant 0 : i32
      %dma_start3A_405 = tpu.memref_slice %arg5[%dma_start3A_397, %dma_start3A_404] : memref<8x200xi32, #tpu.memory_space<vmem>> -> memref<1x200xi32, #tpu.memory_space<vmem>>
      %dma_start3A_406 = tpu.memref_squeeze %dma_start3A_405 : memref<1x200xi32, #tpu.memory_space<vmem>> -> memref<200xi32, #tpu.memory_space<vmem>>
      %dma_start3A_407 = arith.constant 0 : i32
      %dma_start3A_408 = arith.constant 0 : i32
      %dma_start3A_409 = tpu.memref_slice %arg3[%dma_start3A_407, %dma_start3A_408] : memref<1000000x64xf32, #tpu.memory_space<hbm>> -> memref<1000000x64xf32, #tpu.memory_space<hbm>>
      %dma_start3A_410 = tpu.memref_slice %arg8[%dma_start3A_399] : memref<8x!tpu.dma_semaphore, #tpu.memory_space<semaphore_mem>> -> memref<1x!tpu.dma_semaphore, #tpu.memory_space<semaphore_mem>>
      %dma_start3A_411 = tpu.memref_squeeze %dma_start3A_410 : memref<1x!tpu.dma_semaphore, #tpu.memory_space<semaphore_mem>> -> memref<!tpu.dma_semaphore, #tpu.memory_space<semaphore_mem>>
      tpu.enqueue_indirect_dma source(%dma_start3A_409 : memref<1000000x64xf32, #tpu.memory_space<hbm>>) target(%dma_start3A_403 : memref<200x64xf32, #tpu.memory_space<vmem>>) offsets(%dma_start3A_406 : memref<200xi32, #tpu.memory_space<vmem>>) semaphore(%dma_start3A_411 : memref<!tpu.dma_semaphore, #tpu.memory_space<semaphore_mem>>)
      %mul3A_412 = arith.constant 8 : i32
      %mul3A_413 = arith.muli %scan3A_328, %mul3A_412 : i32
      %add3A_414 = arith.constant 2 : i32
      %add3A_415 = arith.addi %mul3A_413, %add3A_414 : i32
      %dma_wait3A_416 = arith.constant 0 : i32
      %dma_wait3A_417 = arith.constant 0 : i32
      %dma_wait3A_418 = arith.constant 0 : i32
      %dma_wait3A_419 = arith.constant 0 : i32
      %dma_wait3A_420 = arith.constant 0 : i32
      %dma_wait3A_421 = tpu.memref_slice %arg6[%dma_wait3A_417, %dma_wait3A_419, %dma_wait3A_420] : memref<8x200x64xf32, #tpu.memory_space<vmem>> -> memref<1x200x64xf32, #tpu.memory_space<vmem>>
      %dma_wait3A_422 = tpu.memref_squeeze %dma_wait3A_421 : memref<1x200x64xf32, #tpu.memory_space<vmem>> -> memref<200x64xf32, #tpu.memory_space<vmem>>
      %dma_wait3A_423 = arith.constant 0 : i32
      %dma_wait3A_424 = tpu.memref_slice %arg5[%dma_wait3A_416, %dma_wait3A_423] : memref<8x200xi32, #tpu.memory_space<vmem>> -> memref<1x200xi32, #tpu.memory_space<vmem>>
      %dma_wait3A_425 = tpu.memref_squeeze %dma_wait3A_424 : memref<1x200xi32, #tpu.memory_space<vmem>> -> memref<200xi32, #tpu.memory_space<vmem>>
      %dma_wait3A_426 = arith.constant 0 : i32
      %dma_wait3A_427 = arith.constant 0 : i32
      %dma_wait3A_428 = tpu.memref_slice %arg3[%dma_wait3A_426, %dma_wait3A_427] : memref<1000000x64xf32, #tpu.memory_space<hbm>> -> memref<1000000x64xf32, #tpu.memory_space<hbm>>
      %dma_wait3A_429 = tpu.memref_slice %arg8[%dma_wait3A_418] : memref<8x!tpu.dma_semaphore, #tpu.memory_space<semaphore_mem>> -> memref<1x!tpu.dma_semaphore, #tpu.memory_space<semaphore_mem>>
      %dma_wait3A_430 = tpu.memref_squeeze %dma_wait3A_429 : memref<1x!tpu.dma_semaphore, #tpu.memory_space<semaphore_mem>> -> memref<!tpu.dma_semaphore, #tpu.memory_space<semaphore_mem>>
      tpu.wait_indirect_dma semaphore(%dma_wait3A_430 : memref<!tpu.dma_semaphore, #tpu.memory_space<semaphore_mem>>) src(%dma_wait3A_428 : memref<1000000x64xf32, #tpu.memory_space<hbm>>) dst(%dma_wait3A_422 : memref<200x64xf32, #tpu.memory_space<vmem>>)
      %lt3A = arith.constant 15 : i32
      %lt3A_431 = arith.cmpi slt, %scan3A_328, %lt3A : i32
      %convert_element_type3A_432 = arith.extui %lt3A_431 : i1 to i32
      %cond3A_433 = arith.constant 0 : i32
      %cond3A_434 = arith.cmpi ne, %convert_element_type3A_432, %cond3A_433 : i32
      scf.if %cond3A_434 {
        %sub3A_884 = arith.constant 2 : i32
        %sub3A_885 = arith.subi %add3A_415, %sub3A_884 : i32
        %add3A_886 = arith.constant 8 : i32
        %add3A_887 = arith.addi %sub3A_885, %add3A_886 : i32
        %mul3A_888 = arith.constant 200 : i32
        %mul3A_889 = arith.muli %add3A_887, %mul3A_888 : i32
        %add3A_890 = arith.addi %mul3A_2, %mul3A_889 : i32
        %dma_start3A_891 = arith.constant 0 : i32
        %dma_start3A_892 = arith.constant 0 : i32
        %dma_start3A_893 = arith.constant 0 : i32
        %dma_start3A_894 = tpu.memref_slice %arg5[%dma_start3A_891, %dma_start3A_893] : memref<8x200xi32, #tpu.memory_space<vmem>> -> memref<1x200xi32, #tpu.memory_space<vmem>>
        %dma_start3A_895 = tpu.memref_squeeze %dma_start3A_894 : memref<1x200xi32, #tpu.memory_space<vmem>> -> memref<200xi32, #tpu.memory_space<vmem>>
        %dma_start3A_896 = tpu.memref_slice %arg2[%add3A_890] : memref<819200xi32, #tpu.memory_space<hbm>> -> memref<200xi32, #tpu.memory_space<hbm>>
        %dma_start3A_897 = tpu.memref_slice %arg7[%dma_start3A_892] : memref<8x!tpu.dma_semaphore, #tpu.memory_space<semaphore_mem>> -> memref<1x!tpu.dma_semaphore, #tpu.memory_space<semaphore_mem>>
        %dma_start3A_898 = tpu.memref_squeeze %dma_start3A_897 : memref<1x!tpu.dma_semaphore, #tpu.memory_space<semaphore_mem>> -> memref<!tpu.dma_semaphore, #tpu.memory_space<semaphore_mem>>
        %dma_start3A_899 = arith.constant 0 : i32
        %dma_start3A_900 = tpu.memref_slice %arg5[%dma_start3A_891, %dma_start3A_899] : memref<8x200xi32, #tpu.memory_space<vmem>> -> memref<1x200xi32, #tpu.memory_space<vmem>>
        %dma_start3A_901 = tpu.memref_squeeze %dma_start3A_900 : memref<1x200xi32, #tpu.memory_space<vmem>> -> memref<200xi32, #tpu.memory_space<vmem>>
        %dma_start3A_902 = tpu.memref_slice %arg2[%add3A_890] : memref<819200xi32, #tpu.memory_space<hbm>> -> memref<200xi32, #tpu.memory_space<hbm>>
        tpu.enqueue_dma source(%dma_start3A_902 : memref<200xi32, #tpu.memory_space<hbm>>) target(%dma_start3A_901 : memref<200xi32, #tpu.memory_space<vmem>>) target_semaphore(%dma_start3A_898 : memref<!tpu.dma_semaphore, #tpu.memory_space<semaphore_mem>>)
      } else {
      }
      %sub3A = arith.constant 2 : i32
      %sub3A_435 = arith.subi %add3A_415, %sub3A : i32
      %mul3A_436 = arith.constant 200 : i32
      %mul3A_437 = arith.muli %sub3A_435, %mul3A_436 : i32
      %add3A_438 = arith.addi %mul3A_2, %mul3A_437 : i32
      %dma_start3A_439 = arith.constant 0 : i32
      %dma_start3A_440 = arith.constant 0 : i32
      %dma_start3A_441 = arith.constant 0 : i32
      %dma_start3A_442 = arith.constant 0 : i32
      %dma_start3A_443 = tpu.memref_slice %arg6[%dma_start3A_439, %dma_start3A_441, %dma_start3A_442] : memref<8x200x64xf32, #tpu.memory_space<vmem>> -> memref<1x200x64xf32, #tpu.memory_space<vmem>>
      %dma_start3A_444 = tpu.memref_squeeze %dma_start3A_443 : memref<1x200x64xf32, #tpu.memory_space<vmem>> -> memref<200x64xf32, #tpu.memory_space<vmem>>
      %dma_start3A_445 = arith.constant 0 : i32
      %dma_start3A_446 = tpu.memref_slice %arg4[%add3A_438, %dma_start3A_445] : memref<819200x64xf32, #tpu.memory_space<hbm>> -> memref<200x64xf32, #tpu.memory_space<hbm>>
      %dma_start3A_447 = tpu.memref_slice %arg9[%dma_start3A_440] : memref<8x!tpu.dma_semaphore, #tpu.memory_space<semaphore_mem>> -> memref<1x!tpu.dma_semaphore, #tpu.memory_space<semaphore_mem>>
      %dma_start3A_448 = tpu.memref_squeeze %dma_start3A_447 : memref<1x!tpu.dma_semaphore, #tpu.memory_space<semaphore_mem>> -> memref<!tpu.dma_semaphore, #tpu.memory_space<semaphore_mem>>
      %dma_start3A_449 = arith.constant 0 : i32
      %dma_start3A_450 = tpu.memref_slice %arg4[%add3A_438, %dma_start3A_449] : memref<819200x64xf32, #tpu.memory_space<hbm>> -> memref<200x64xf32, #tpu.memory_space<hbm>>
      %dma_start3A_451 = arith.constant 0 : i32
      %dma_start3A_452 = arith.constant 0 : i32
      %dma_start3A_453 = tpu.memref_slice %arg6[%dma_start3A_439, %dma_start3A_451, %dma_start3A_452] : memref<8x200x64xf32, #tpu.memory_space<vmem>> -> memref<1x200x64xf32, #tpu.memory_space<vmem>>
      %dma_start3A_454 = tpu.memref_squeeze %dma_start3A_453 : memref<1x200x64xf32, #tpu.memory_space<vmem>> -> memref<200x64xf32, #tpu.memory_space<vmem>>
      tpu.enqueue_dma source(%dma_start3A_454 : memref<200x64xf32, #tpu.memory_space<vmem>>) target(%dma_start3A_450 : memref<200x64xf32, #tpu.memory_space<hbm>>) target_semaphore(%dma_start3A_448 : memref<!tpu.dma_semaphore, #tpu.memory_space<semaphore_mem>>)
      %gt3A_455 = arith.constant 0 : i32
      %gt3A_456 = arith.cmpi sgt, %scan3A_328, %gt3A_455 : i32
      %convert_element_type3A_457 = arith.extui %gt3A_456 : i1 to i32
      %cond3A_458 = arith.constant 0 : i32
      %cond3A_459 = arith.cmpi ne, %convert_element_type3A_457, %cond3A_458 : i32
      scf.if %cond3A_459 {
        %dma_wait3A_884 = arith.constant 2 : i32
        %dma_wait3A_885 = arith.constant 2 : i32
        %dma_wait3A_886 = arith.constant 0 : i32
        %dma_wait3A_887 = arith.constant 0 : i32
        %dma_wait3A_888 = tpu.memref_slice %arg6[%dma_wait3A_884, %dma_wait3A_886, %dma_wait3A_887] : memref<8x200x64xf32, #tpu.memory_space<vmem>> -> memref<1x200x64xf32, #tpu.memory_space<vmem>>
        %dma_wait3A_889 = tpu.memref_squeeze %dma_wait3A_888 : memref<1x200x64xf32, #tpu.memory_space<vmem>> -> memref<200x64xf32, #tpu.memory_space<vmem>>
        %dma_wait3A_890 = arith.constant 0 : i32
        %dma_wait3A_891 = arith.constant 0 : i32
        %dma_wait3A_892 = tpu.memref_slice %arg4[%dma_wait3A_890, %dma_wait3A_891] : memref<819200x64xf32, #tpu.memory_space<hbm>> -> memref<200x64xf32, #tpu.memory_space<hbm>>
        %dma_wait3A_893 = tpu.memref_slice %arg9[%dma_wait3A_885] : memref<8x!tpu.dma_semaphore, #tpu.memory_space<semaphore_mem>> -> memref<1x!tpu.dma_semaphore, #tpu.memory_space<semaphore_mem>>
        %dma_wait3A_894 = tpu.memref_squeeze %dma_wait3A_893 : memref<1x!tpu.dma_semaphore, #tpu.memory_space<semaphore_mem>> -> memref<!tpu.dma_semaphore, #tpu.memory_space<semaphore_mem>>
        %dma_wait3A_895 = arith.constant 0 : i32
        %dma_wait3A_896 = arith.constant 0 : i32
        %dma_wait3A_897 = tpu.memref_slice %arg4[%dma_wait3A_895, %dma_wait3A_896] : memref<819200x64xf32, #tpu.memory_space<hbm>> -> memref<200x64xf32, #tpu.memory_space<hbm>>
        %dma_wait3A_898 = arith.constant 0 : i32
        %dma_wait3A_899 = arith.constant 0 : i32
        %dma_wait3A_900 = tpu.memref_slice %arg6[%dma_wait3A_884, %dma_wait3A_898, %dma_wait3A_899] : memref<8x200x64xf32, #tpu.memory_space<vmem>> -> memref<1x200x64xf32, #tpu.memory_space<vmem>>
        %dma_wait3A_901 = tpu.memref_squeeze %dma_wait3A_900 : memref<1x200x64xf32, #tpu.memory_space<vmem>> -> memref<200x64xf32, #tpu.memory_space<vmem>>
        tpu.wait_dma2 semaphore(%dma_wait3A_894 : memref<!tpu.dma_semaphore, #tpu.memory_space<semaphore_mem>>) src(%dma_wait3A_901 : memref<200x64xf32, #tpu.memory_space<vmem>>) dst(%dma_wait3A_897 : memref<200x64xf32, #tpu.memory_space<hbm>>)
      } else {
      }
      %dma_wait3A_460 = arith.constant 2 : i32
      %dma_wait3A_461 = arith.constant 2 : i32
      %dma_wait3A_462 = arith.constant 0 : i32
      %dma_wait3A_463 = tpu.memref_slice %arg5[%dma_wait3A_460, %dma_wait3A_462] : memref<8x200xi32, #tpu.memory_space<vmem>> -> memref<1x200xi32, #tpu.memory_space<vmem>>
      %dma_wait3A_464 = tpu.memref_squeeze %dma_wait3A_463 : memref<1x200xi32, #tpu.memory_space<vmem>> -> memref<200xi32, #tpu.memory_space<vmem>>
      %dma_wait3A_465 = arith.constant 0 : i32
      %dma_wait3A_466 = tpu.memref_slice %arg2[%dma_wait3A_465] : memref<819200xi32, #tpu.memory_space<hbm>> -> memref<200xi32, #tpu.memory_space<hbm>>
      %dma_wait3A_467 = tpu.memref_slice %arg7[%dma_wait3A_461] : memref<8x!tpu.dma_semaphore, #tpu.memory_space<semaphore_mem>> -> memref<1x!tpu.dma_semaphore, #tpu.memory_space<semaphore_mem>>
      %dma_wait3A_468 = tpu.memref_squeeze %dma_wait3A_467 : memref<1x!tpu.dma_semaphore, #tpu.memory_space<semaphore_mem>> -> memref<!tpu.dma_semaphore, #tpu.memory_space<semaphore_mem>>
      %dma_wait3A_469 = arith.constant 0 : i32
      %dma_wait3A_470 = tpu.memref_slice %arg5[%dma_wait3A_460, %dma_wait3A_469] : memref<8x200xi32, #tpu.memory_space<vmem>> -> memref<1x200xi32, #tpu.memory_space<vmem>>
      %dma_wait3A_471 = tpu.memref_squeeze %dma_wait3A_470 : memref<1x200xi32, #tpu.memory_space<vmem>> -> memref<200xi32, #tpu.memory_space<vmem>>
      %dma_wait3A_472 = arith.constant 0 : i32
      %dma_wait3A_473 = tpu.memref_slice %arg2[%dma_wait3A_472] : memref<819200xi32, #tpu.memory_space<hbm>> -> memref<200xi32, #tpu.memory_space<hbm>>
      tpu.wait_dma2 semaphore(%dma_wait3A_468 : memref<!tpu.dma_semaphore, #tpu.memory_space<semaphore_mem>>) src(%dma_wait3A_473 : memref<200xi32, #tpu.memory_space<hbm>>) dst(%dma_wait3A_471 : memref<200xi32, #tpu.memory_space<vmem>>)
      %dma_start3A_474 = arith.constant 2 : i32
      %dma_start3A_475 = arith.constant 2 : i32
      %dma_start3A_476 = arith.constant 2 : i32
      %dma_start3A_477 = arith.constant 0 : i32
      %dma_start3A_478 = arith.constant 0 : i32
      %dma_start3A_479 = tpu.memref_slice %arg6[%dma_start3A_475, %dma_start3A_477, %dma_start3A_478] : memref<8x200x64xf32, #tpu.memory_space<vmem>> -> memref<1x200x64xf32, #tpu.memory_space<vmem>>
      %dma_start3A_480 = tpu.memref_squeeze %dma_start3A_479 : memref<1x200x64xf32, #tpu.memory_space<vmem>> -> memref<200x64xf32, #tpu.memory_space<vmem>>
      %dma_start3A_481 = arith.constant 0 : i32
      %dma_start3A_482 = tpu.memref_slice %arg5[%dma_start3A_474, %dma_start3A_481] : memref<8x200xi32, #tpu.memory_space<vmem>> -> memref<1x200xi32, #tpu.memory_space<vmem>>
      %dma_start3A_483 = tpu.memref_squeeze %dma_start3A_482 : memref<1x200xi32, #tpu.memory_space<vmem>> -> memref<200xi32, #tpu.memory_space<vmem>>
      %dma_start3A_484 = arith.constant 0 : i32
      %dma_start3A_485 = arith.constant 0 : i32
      %dma_start3A_486 = tpu.memref_slice %arg3[%dma_start3A_484, %dma_start3A_485] : memref<1000000x64xf32, #tpu.memory_space<hbm>> -> memref<1000000x64xf32, #tpu.memory_space<hbm>>
      %dma_start3A_487 = tpu.memref_slice %arg8[%dma_start3A_476] : memref<8x!tpu.dma_semaphore, #tpu.memory_space<semaphore_mem>> -> memref<1x!tpu.dma_semaphore, #tpu.memory_space<semaphore_mem>>
      %dma_start3A_488 = tpu.memref_squeeze %dma_start3A_487 : memref<1x!tpu.dma_semaphore, #tpu.memory_space<semaphore_mem>> -> memref<!tpu.dma_semaphore, #tpu.memory_space<semaphore_mem>>
      tpu.enqueue_indirect_dma source(%dma_start3A_486 : memref<1000000x64xf32, #tpu.memory_space<hbm>>) target(%dma_start3A_480 : memref<200x64xf32, #tpu.memory_space<vmem>>) offsets(%dma_start3A_483 : memref<200xi32, #tpu.memory_space<vmem>>) semaphore(%dma_start3A_488 : memref<!tpu.dma_semaphore, #tpu.memory_space<semaphore_mem>>)
      %mul3A_489 = arith.constant 8 : i32
      %mul3A_490 = arith.muli %scan3A_328, %mul3A_489 : i32
      %add3A_491 = arith.constant 3 : i32
      %add3A_492 = arith.addi %mul3A_490, %add3A_491 : i32
      %dma_wait3A_493 = arith.constant 1 : i32
      %dma_wait3A_494 = arith.constant 1 : i32
      %dma_wait3A_495 = arith.constant 1 : i32
      %dma_wait3A_496 = arith.constant 0 : i32
      %dma_wait3A_497 = arith.constant 0 : i32
      %dma_wait3A_498 = tpu.memref_slice %arg6[%dma_wait3A_494, %dma_wait3A_496, %dma_wait3A_497] : memref<8x200x64xf32, #tpu.memory_space<vmem>> -> memref<1x200x64xf32, #tpu.memory_space<vmem>>
      %dma_wait3A_499 = tpu.memref_squeeze %dma_wait3A_498 : memref<1x200x64xf32, #tpu.memory_space<vmem>> -> memref<200x64xf32, #tpu.memory_space<vmem>>
      %dma_wait3A_500 = arith.constant 0 : i32
      %dma_wait3A_501 = tpu.memref_slice %arg5[%dma_wait3A_493, %dma_wait3A_500] : memref<8x200xi32, #tpu.memory_space<vmem>> -> memref<1x200xi32, #tpu.memory_space<vmem>>
      %dma_wait3A_502 = tpu.memref_squeeze %dma_wait3A_501 : memref<1x200xi32, #tpu.memory_space<vmem>> -> memref<200xi32, #tpu.memory_space<vmem>>
      %dma_wait3A_503 = arith.constant 0 : i32
      %dma_wait3A_504 = arith.constant 0 : i32
      %dma_wait3A_505 = tpu.memref_slice %arg3[%dma_wait3A_503, %dma_wait3A_504] : memref<1000000x64xf32, #tpu.memory_space<hbm>> -> memref<1000000x64xf32, #tpu.memory_space<hbm>>
      %dma_wait3A_506 = tpu.memref_slice %arg8[%dma_wait3A_495] : memref<8x!tpu.dma_semaphore, #tpu.memory_space<semaphore_mem>> -> memref<1x!tpu.dma_semaphore, #tpu.memory_space<semaphore_mem>>
      %dma_wait3A_507 = tpu.memref_squeeze %dma_wait3A_506 : memref<1x!tpu.dma_semaphore, #tpu.memory_space<semaphore_mem>> -> memref<!tpu.dma_semaphore, #tpu.memory_space<semaphore_mem>>
      tpu.wait_indirect_dma semaphore(%dma_wait3A_507 : memref<!tpu.dma_semaphore, #tpu.memory_space<semaphore_mem>>) src(%dma_wait3A_505 : memref<1000000x64xf32, #tpu.memory_space<hbm>>) dst(%dma_wait3A_499 : memref<200x64xf32, #tpu.memory_space<vmem>>)
      %lt3A_508 = arith.constant 15 : i32
      %lt3A_509 = arith.cmpi slt, %scan3A_328, %lt3A_508 : i32
      %convert_element_type3A_510 = arith.extui %lt3A_509 : i1 to i32
      %cond3A_511 = arith.constant 0 : i32
      %cond3A_512 = arith.cmpi ne, %convert_element_type3A_510, %cond3A_511 : i32
      scf.if %cond3A_512 {
        %sub3A_884 = arith.constant 2 : i32
        %sub3A_885 = arith.subi %add3A_492, %sub3A_884 : i32
        %add3A_886 = arith.constant 8 : i32
        %add3A_887 = arith.addi %sub3A_885, %add3A_886 : i32
        %mul3A_888 = arith.constant 200 : i32
        %mul3A_889 = arith.muli %add3A_887, %mul3A_888 : i32
        %add3A_890 = arith.addi %mul3A_2, %mul3A_889 : i32
        %dma_start3A_891 = arith.constant 1 : i32
        %dma_start3A_892 = arith.constant 1 : i32
        %dma_start3A_893 = arith.constant 0 : i32
        %dma_start3A_894 = tpu.memref_slice %arg5[%dma_start3A_891, %dma_start3A_893] : memref<8x200xi32, #tpu.memory_space<vmem>> -> memref<1x200xi32, #tpu.memory_space<vmem>>
        %dma_start3A_895 = tpu.memref_squeeze %dma_start3A_894 : memref<1x200xi32, #tpu.memory_space<vmem>> -> memref<200xi32, #tpu.memory_space<vmem>>
        %dma_start3A_896 = tpu.memref_slice %arg2[%add3A_890] : memref<819200xi32, #tpu.memory_space<hbm>> -> memref<200xi32, #tpu.memory_space<hbm>>
        %dma_start3A_897 = tpu.memref_slice %arg7[%dma_start3A_892] : memref<8x!tpu.dma_semaphore, #tpu.memory_space<semaphore_mem>> -> memref<1x!tpu.dma_semaphore, #tpu.memory_space<semaphore_mem>>
        %dma_start3A_898 = tpu.memref_squeeze %dma_start3A_897 : memref<1x!tpu.dma_semaphore, #tpu.memory_space<semaphore_mem>> -> memref<!tpu.dma_semaphore, #tpu.memory_space<semaphore_mem>>
        %dma_start3A_899 = arith.constant 0 : i32
        %dma_start3A_900 = tpu.memref_slice %arg5[%dma_start3A_891, %dma_start3A_899] : memref<8x200xi32, #tpu.memory_space<vmem>> -> memref<1x200xi32, #tpu.memory_space<vmem>>
        %dma_start3A_901 = tpu.memref_squeeze %dma_start3A_900 : memref<1x200xi32, #tpu.memory_space<vmem>> -> memref<200xi32, #tpu.memory_space<vmem>>
        %dma_start3A_902 = tpu.memref_slice %arg2[%add3A_890] : memref<819200xi32, #tpu.memory_space<hbm>> -> memref<200xi32, #tpu.memory_space<hbm>>
        tpu.enqueue_dma source(%dma_start3A_902 : memref<200xi32, #tpu.memory_space<hbm>>) target(%dma_start3A_901 : memref<200xi32, #tpu.memory_space<vmem>>) target_semaphore(%dma_start3A_898 : memref<!tpu.dma_semaphore, #tpu.memory_space<semaphore_mem>>)
      } else {
      }
      %sub3A_513 = arith.constant 2 : i32
      %sub3A_514 = arith.subi %add3A_492, %sub3A_513 : i32
      %mul3A_515 = arith.constant 200 : i32
      %mul3A_516 = arith.muli %sub3A_514, %mul3A_515 : i32
      %add3A_517 = arith.addi %mul3A_2, %mul3A_516 : i32
      %dma_start3A_518 = arith.constant 1 : i32
      %dma_start3A_519 = arith.constant 1 : i32
      %dma_start3A_520 = arith.constant 0 : i32
      %dma_start3A_521 = arith.constant 0 : i32
      %dma_start3A_522 = tpu.memref_slice %arg6[%dma_start3A_518, %dma_start3A_520, %dma_start3A_521] : memref<8x200x64xf32, #tpu.memory_space<vmem>> -> memref<1x200x64xf32, #tpu.memory_space<vmem>>
      %dma_start3A_523 = tpu.memref_squeeze %dma_start3A_522 : memref<1x200x64xf32, #tpu.memory_space<vmem>> -> memref<200x64xf32, #tpu.memory_space<vmem>>
      %dma_start3A_524 = arith.constant 0 : i32
      %dma_start3A_525 = tpu.memref_slice %arg4[%add3A_517, %dma_start3A_524] : memref<819200x64xf32, #tpu.memory_space<hbm>> -> memref<200x64xf32, #tpu.memory_space<hbm>>
      %dma_start3A_526 = tpu.memref_slice %arg9[%dma_start3A_519] : memref<8x!tpu.dma_semaphore, #tpu.memory_space<semaphore_mem>> -> memref<1x!tpu.dma_semaphore, #tpu.memory_space<semaphore_mem>>
      %dma_start3A_527 = tpu.memref_squeeze %dma_start3A_526 : memref<1x!tpu.dma_semaphore, #tpu.memory_space<semaphore_mem>> -> memref<!tpu.dma_semaphore, #tpu.memory_space<semaphore_mem>>
      %dma_start3A_528 = arith.constant 0 : i32
      %dma_start3A_529 = tpu.memref_slice %arg4[%add3A_517, %dma_start3A_528] : memref<819200x64xf32, #tpu.memory_space<hbm>> -> memref<200x64xf32, #tpu.memory_space<hbm>>
      %dma_start3A_530 = arith.constant 0 : i32
      %dma_start3A_531 = arith.constant 0 : i32
      %dma_start3A_532 = tpu.memref_slice %arg6[%dma_start3A_518, %dma_start3A_530, %dma_start3A_531] : memref<8x200x64xf32, #tpu.memory_space<vmem>> -> memref<1x200x64xf32, #tpu.memory_space<vmem>>
      %dma_start3A_533 = tpu.memref_squeeze %dma_start3A_532 : memref<1x200x64xf32, #tpu.memory_space<vmem>> -> memref<200x64xf32, #tpu.memory_space<vmem>>
      tpu.enqueue_dma source(%dma_start3A_533 : memref<200x64xf32, #tpu.memory_space<vmem>>) target(%dma_start3A_529 : memref<200x64xf32, #tpu.memory_space<hbm>>) target_semaphore(%dma_start3A_527 : memref<!tpu.dma_semaphore, #tpu.memory_space<semaphore_mem>>)
      %gt3A_534 = arith.constant 0 : i32
      %gt3A_535 = arith.cmpi sgt, %scan3A_328, %gt3A_534 : i32
      %convert_element_type3A_536 = arith.extui %gt3A_535 : i1 to i32
      %cond3A_537 = arith.constant 0 : i32
      %cond3A_538 = arith.cmpi ne, %convert_element_type3A_536, %cond3A_537 : i32
      scf.if %cond3A_538 {
        %dma_wait3A_884 = arith.constant 3 : i32
        %dma_wait3A_885 = arith.constant 3 : i32
        %dma_wait3A_886 = arith.constant 0 : i32
        %dma_wait3A_887 = arith.constant 0 : i32
        %dma_wait3A_888 = tpu.memref_slice %arg6[%dma_wait3A_884, %dma_wait3A_886, %dma_wait3A_887] : memref<8x200x64xf32, #tpu.memory_space<vmem>> -> memref<1x200x64xf32, #tpu.memory_space<vmem>>
        %dma_wait3A_889 = tpu.memref_squeeze %dma_wait3A_888 : memref<1x200x64xf32, #tpu.memory_space<vmem>> -> memref<200x64xf32, #tpu.memory_space<vmem>>
        %dma_wait3A_890 = arith.constant 0 : i32
        %dma_wait3A_891 = arith.constant 0 : i32
        %dma_wait3A_892 = tpu.memref_slice %arg4[%dma_wait3A_890, %dma_wait3A_891] : memref<819200x64xf32, #tpu.memory_space<hbm>> -> memref<200x64xf32, #tpu.memory_space<hbm>>
        %dma_wait3A_893 = tpu.memref_slice %arg9[%dma_wait3A_885] : memref<8x!tpu.dma_semaphore, #tpu.memory_space<semaphore_mem>> -> memref<1x!tpu.dma_semaphore, #tpu.memory_space<semaphore_mem>>
        %dma_wait3A_894 = tpu.memref_squeeze %dma_wait3A_893 : memref<1x!tpu.dma_semaphore, #tpu.memory_space<semaphore_mem>> -> memref<!tpu.dma_semaphore, #tpu.memory_space<semaphore_mem>>
        %dma_wait3A_895 = arith.constant 0 : i32
        %dma_wait3A_896 = arith.constant 0 : i32
        %dma_wait3A_897 = tpu.memref_slice %arg4[%dma_wait3A_895, %dma_wait3A_896] : memref<819200x64xf32, #tpu.memory_space<hbm>> -> memref<200x64xf32, #tpu.memory_space<hbm>>
        %dma_wait3A_898 = arith.constant 0 : i32
        %dma_wait3A_899 = arith.constant 0 : i32
        %dma_wait3A_900 = tpu.memref_slice %arg6[%dma_wait3A_884, %dma_wait3A_898, %dma_wait3A_899] : memref<8x200x64xf32, #tpu.memory_space<vmem>> -> memref<1x200x64xf32, #tpu.memory_space<vmem>>
        %dma_wait3A_901 = tpu.memref_squeeze %dma_wait3A_900 : memref<1x200x64xf32, #tpu.memory_space<vmem>> -> memref<200x64xf32, #tpu.memory_space<vmem>>
        tpu.wait_dma2 semaphore(%dma_wait3A_894 : memref<!tpu.dma_semaphore, #tpu.memory_space<semaphore_mem>>) src(%dma_wait3A_901 : memref<200x64xf32, #tpu.memory_space<vmem>>) dst(%dma_wait3A_897 : memref<200x64xf32, #tpu.memory_space<hbm>>)
      } else {
      }
      %dma_wait3A_539 = arith.constant 3 : i32
      %dma_wait3A_540 = arith.constant 3 : i32
      %dma_wait3A_541 = arith.constant 0 : i32
      %dma_wait3A_542 = tpu.memref_slice %arg5[%dma_wait3A_539, %dma_wait3A_541] : memref<8x200xi32, #tpu.memory_space<vmem>> -> memref<1x200xi32, #tpu.memory_space<vmem>>
      %dma_wait3A_543 = tpu.memref_squeeze %dma_wait3A_542 : memref<1x200xi32, #tpu.memory_space<vmem>> -> memref<200xi32, #tpu.memory_space<vmem>>
      %dma_wait3A_544 = arith.constant 0 : i32
      %dma_wait3A_545 = tpu.memref_slice %arg2[%dma_wait3A_544] : memref<819200xi32, #tpu.memory_space<hbm>> -> memref<200xi32, #tpu.memory_space<hbm>>
      %dma_wait3A_546 = tpu.memref_slice %arg7[%dma_wait3A_540] : memref<8x!tpu.dma_semaphore, #tpu.memory_space<semaphore_mem>> -> memref<1x!tpu.dma_semaphore, #tpu.memory_space<semaphore_mem>>
      %dma_wait3A_547 = tpu.memref_squeeze %dma_wait3A_546 : memref<1x!tpu.dma_semaphore, #tpu.memory_space<semaphore_mem>> -> memref<!tpu.dma_semaphore, #tpu.memory_space<semaphore_mem>>
      %dma_wait3A_548 = arith.constant 0 : i32
      %dma_wait3A_549 = tpu.memref_slice %arg5[%dma_wait3A_539, %dma_wait3A_548] : memref<8x200xi32, #tpu.memory_space<vmem>> -> memref<1x200xi32, #tpu.memory_space<vmem>>
      %dma_wait3A_550 = tpu.memref_squeeze %dma_wait3A_549 : memref<1x200xi32, #tpu.memory_space<vmem>> -> memref<200xi32, #tpu.memory_space<vmem>>
      %dma_wait3A_551 = arith.constant 0 : i32
      %dma_wait3A_552 = tpu.memref_slice %arg2[%dma_wait3A_551] : memref<819200xi32, #tpu.memory_space<hbm>> -> memref<200xi32, #tpu.memory_space<hbm>>
      tpu.wait_dma2 semaphore(%dma_wait3A_547 : memref<!tpu.dma_semaphore, #tpu.memory_space<semaphore_mem>>) src(%dma_wait3A_552 : memref<200xi32, #tpu.memory_space<hbm>>) dst(%dma_wait3A_550 : memref<200xi32, #tpu.memory_space<vmem>>)
      %dma_start3A_553 = arith.constant 3 : i32
      %dma_start3A_554 = arith.constant 3 : i32
      %dma_start3A_555 = arith.constant 3 : i32
      %dma_start3A_556 = arith.constant 0 : i32
      %dma_start3A_557 = arith.constant 0 : i32
      %dma_start3A_558 = tpu.memref_slice %arg6[%dma_start3A_554, %dma_start3A_556, %dma_start3A_557] : memref<8x200x64xf32, #tpu.memory_space<vmem>> -> memref<1x200x64xf32, #tpu.memory_space<vmem>>
      %dma_start3A_559 = tpu.memref_squeeze %dma_start3A_558 : memref<1x200x64xf32, #tpu.memory_space<vmem>> -> memref<200x64xf32, #tpu.memory_space<vmem>>
      %dma_start3A_560 = arith.constant 0 : i32
      %dma_start3A_561 = tpu.memref_slice %arg5[%dma_start3A_553, %dma_start3A_560] : memref<8x200xi32, #tpu.memory_space<vmem>> -> memref<1x200xi32, #tpu.memory_space<vmem>>
      %dma_start3A_562 = tpu.memref_squeeze %dma_start3A_561 : memref<1x200xi32, #tpu.memory_space<vmem>> -> memref<200xi32, #tpu.memory_space<vmem>>
      %dma_start3A_563 = arith.constant 0 : i32
      %dma_start3A_564 = arith.constant 0 : i32
      %dma_start3A_565 = tpu.memref_slice %arg3[%dma_start3A_563, %dma_start3A_564] : memref<1000000x64xf32, #tpu.memory_space<hbm>> -> memref<1000000x64xf32, #tpu.memory_space<hbm>>
      %dma_start3A_566 = tpu.memref_slice %arg8[%dma_start3A_555] : memref<8x!tpu.dma_semaphore, #tpu.memory_space<semaphore_mem>> -> memref<1x!tpu.dma_semaphore, #tpu.memory_space<semaphore_mem>>
      %dma_start3A_567 = tpu.memref_squeeze %dma_start3A_566 : memref<1x!tpu.dma_semaphore, #tpu.memory_space<semaphore_mem>> -> memref<!tpu.dma_semaphore, #tpu.memory_space<semaphore_mem>>
      tpu.enqueue_indirect_dma source(%dma_start3A_565 : memref<1000000x64xf32, #tpu.memory_space<hbm>>) target(%dma_start3A_559 : memref<200x64xf32, #tpu.memory_space<vmem>>) offsets(%dma_start3A_562 : memref<200xi32, #tpu.memory_space<vmem>>) semaphore(%dma_start3A_567 : memref<!tpu.dma_semaphore, #tpu.memory_space<semaphore_mem>>)
      %mul3A_568 = arith.constant 8 : i32
      %mul3A_569 = arith.muli %scan3A_328, %mul3A_568 : i32
      %add3A_570 = arith.constant 4 : i32
      %add3A_571 = arith.addi %mul3A_569, %add3A_570 : i32
      %dma_wait3A_572 = arith.constant 2 : i32
      %dma_wait3A_573 = arith.constant 2 : i32
      %dma_wait3A_574 = arith.constant 2 : i32
      %dma_wait3A_575 = arith.constant 0 : i32
      %dma_wait3A_576 = arith.constant 0 : i32
      %dma_wait3A_577 = tpu.memref_slice %arg6[%dma_wait3A_573, %dma_wait3A_575, %dma_wait3A_576] : memref<8x200x64xf32, #tpu.memory_space<vmem>> -> memref<1x200x64xf32, #tpu.memory_space<vmem>>
      %dma_wait3A_578 = tpu.memref_squeeze %dma_wait3A_577 : memref<1x200x64xf32, #tpu.memory_space<vmem>> -> memref<200x64xf32, #tpu.memory_space<vmem>>
      %dma_wait3A_579 = arith.constant 0 : i32
      %dma_wait3A_580 = tpu.memref_slice %arg5[%dma_wait3A_572, %dma_wait3A_579] : memref<8x200xi32, #tpu.memory_space<vmem>> -> memref<1x200xi32, #tpu.memory_space<vmem>>
      %dma_wait3A_581 = tpu.memref_squeeze %dma_wait3A_580 : memref<1x200xi32, #tpu.memory_space<vmem>> -> memref<200xi32, #tpu.memory_space<vmem>>
      %dma_wait3A_582 = arith.constant 0 : i32
      %dma_wait3A_583 = arith.constant 0 : i32
      %dma_wait3A_584 = tpu.memref_slice %arg3[%dma_wait3A_582, %dma_wait3A_583] : memref<1000000x64xf32, #tpu.memory_space<hbm>> -> memref<1000000x64xf32, #tpu.memory_space<hbm>>
      %dma_wait3A_585 = tpu.memref_slice %arg8[%dma_wait3A_574] : memref<8x!tpu.dma_semaphore, #tpu.memory_space<semaphore_mem>> -> memref<1x!tpu.dma_semaphore, #tpu.memory_space<semaphore_mem>>
      %dma_wait3A_586 = tpu.memref_squeeze %dma_wait3A_585 : memref<1x!tpu.dma_semaphore, #tpu.memory_space<semaphore_mem>> -> memref<!tpu.dma_semaphore, #tpu.memory_space<semaphore_mem>>
      tpu.wait_indirect_dma semaphore(%dma_wait3A_586 : memref<!tpu.dma_semaphore, #tpu.memory_space<semaphore_mem>>) src(%dma_wait3A_584 : memref<1000000x64xf32, #tpu.memory_space<hbm>>) dst(%dma_wait3A_578 : memref<200x64xf32, #tpu.memory_space<vmem>>)
      %lt3A_587 = arith.constant 15 : i32
      %lt3A_588 = arith.cmpi slt, %scan3A_328, %lt3A_587 : i32
      %convert_element_type3A_589 = arith.extui %lt3A_588 : i1 to i32
      %cond3A_590 = arith.constant 0 : i32
      %cond3A_591 = arith.cmpi ne, %convert_element_type3A_589, %cond3A_590 : i32
      scf.if %cond3A_591 {
        %sub3A_884 = arith.constant 2 : i32
        %sub3A_885 = arith.subi %add3A_571, %sub3A_884 : i32
        %add3A_886 = arith.constant 8 : i32
        %add3A_887 = arith.addi %sub3A_885, %add3A_886 : i32
        %mul3A_888 = arith.constant 200 : i32
        %mul3A_889 = arith.muli %add3A_887, %mul3A_888 : i32
        %add3A_890 = arith.addi %mul3A_2, %mul3A_889 : i32
        %dma_start3A_891 = arith.constant 2 : i32
        %dma_start3A_892 = arith.constant 2 : i32
        %dma_start3A_893 = arith.constant 0 : i32
        %dma_start3A_894 = tpu.memref_slice %arg5[%dma_start3A_891, %dma_start3A_893] : memref<8x200xi32, #tpu.memory_space<vmem>> -> memref<1x200xi32, #tpu.memory_space<vmem>>
        %dma_start3A_895 = tpu.memref_squeeze %dma_start3A_894 : memref<1x200xi32, #tpu.memory_space<vmem>> -> memref<200xi32, #tpu.memory_space<vmem>>
        %dma_start3A_896 = tpu.memref_slice %arg2[%add3A_890] : memref<819200xi32, #tpu.memory_space<hbm>> -> memref<200xi32, #tpu.memory_space<hbm>>
        %dma_start3A_897 = tpu.memref_slice %arg7[%dma_start3A_892] : memref<8x!tpu.dma_semaphore, #tpu.memory_space<semaphore_mem>> -> memref<1x!tpu.dma_semaphore, #tpu.memory_space<semaphore_mem>>
        %dma_start3A_898 = tpu.memref_squeeze %dma_start3A_897 : memref<1x!tpu.dma_semaphore, #tpu.memory_space<semaphore_mem>> -> memref<!tpu.dma_semaphore, #tpu.memory_space<semaphore_mem>>
        %dma_start3A_899 = arith.constant 0 : i32
        %dma_start3A_900 = tpu.memref_slice %arg5[%dma_start3A_891, %dma_start3A_899] : memref<8x200xi32, #tpu.memory_space<vmem>> -> memref<1x200xi32, #tpu.memory_space<vmem>>
        %dma_start3A_901 = tpu.memref_squeeze %dma_start3A_900 : memref<1x200xi32, #tpu.memory_space<vmem>> -> memref<200xi32, #tpu.memory_space<vmem>>
        %dma_start3A_902 = tpu.memref_slice %arg2[%add3A_890] : memref<819200xi32, #tpu.memory_space<hbm>> -> memref<200xi32, #tpu.memory_space<hbm>>
        tpu.enqueue_dma source(%dma_start3A_902 : memref<200xi32, #tpu.memory_space<hbm>>) target(%dma_start3A_901 : memref<200xi32, #tpu.memory_space<vmem>>) target_semaphore(%dma_start3A_898 : memref<!tpu.dma_semaphore, #tpu.memory_space<semaphore_mem>>)
      } else {
      }
      %sub3A_592 = arith.constant 2 : i32
      %sub3A_593 = arith.subi %add3A_571, %sub3A_592 : i32
      %mul3A_594 = arith.constant 200 : i32
      %mul3A_595 = arith.muli %sub3A_593, %mul3A_594 : i32
      %add3A_596 = arith.addi %mul3A_2, %mul3A_595 : i32
      %dma_start3A_597 = arith.constant 2 : i32
      %dma_start3A_598 = arith.constant 2 : i32
      %dma_start3A_599 = arith.constant 0 : i32
      %dma_start3A_600 = arith.constant 0 : i32
      %dma_start3A_601 = tpu.memref_slice %arg6[%dma_start3A_597, %dma_start3A_599, %dma_start3A_600] : memref<8x200x64xf32, #tpu.memory_space<vmem>> -> memref<1x200x64xf32, #tpu.memory_space<vmem>>
      %dma_start3A_602 = tpu.memref_squeeze %dma_start3A_601 : memref<1x200x64xf32, #tpu.memory_space<vmem>> -> memref<200x64xf32, #tpu.memory_space<vmem>>
      %dma_start3A_603 = arith.constant 0 : i32
      %dma_start3A_604 = tpu.memref_slice %arg4[%add3A_596, %dma_start3A_603] : memref<819200x64xf32, #tpu.memory_space<hbm>> -> memref<200x64xf32, #tpu.memory_space<hbm>>
      %dma_start3A_605 = tpu.memref_slice %arg9[%dma_start3A_598] : memref<8x!tpu.dma_semaphore, #tpu.memory_space<semaphore_mem>> -> memref<1x!tpu.dma_semaphore, #tpu.memory_space<semaphore_mem>>
      %dma_start3A_606 = tpu.memref_squeeze %dma_start3A_605 : memref<1x!tpu.dma_semaphore, #tpu.memory_space<semaphore_mem>> -> memref<!tpu.dma_semaphore, #tpu.memory_space<semaphore_mem>>
      %dma_start3A_607 = arith.constant 0 : i32
      %dma_start3A_608 = tpu.memref_slice %arg4[%add3A_596, %dma_start3A_607] : memref<819200x64xf32, #tpu.memory_space<hbm>> -> memref<200x64xf32, #tpu.memory_space<hbm>>
      %dma_start3A_609 = arith.constant 0 : i32
      %dma_start3A_610 = arith.constant 0 : i32
      %dma_start3A_611 = tpu.memref_slice %arg6[%dma_start3A_597, %dma_start3A_609, %dma_start3A_610] : memref<8x200x64xf32, #tpu.memory_space<vmem>> -> memref<1x200x64xf32, #tpu.memory_space<vmem>>
      %dma_start3A_612 = tpu.memref_squeeze %dma_start3A_611 : memref<1x200x64xf32, #tpu.memory_space<vmem>> -> memref<200x64xf32, #tpu.memory_space<vmem>>
      tpu.enqueue_dma source(%dma_start3A_612 : memref<200x64xf32, #tpu.memory_space<vmem>>) target(%dma_start3A_608 : memref<200x64xf32, #tpu.memory_space<hbm>>) target_semaphore(%dma_start3A_606 : memref<!tpu.dma_semaphore, #tpu.memory_space<semaphore_mem>>)
      %gt3A_613 = arith.constant 0 : i32
      %gt3A_614 = arith.cmpi sgt, %scan3A_328, %gt3A_613 : i32
      %convert_element_type3A_615 = arith.extui %gt3A_614 : i1 to i32
      %cond3A_616 = arith.constant 0 : i32
      %cond3A_617 = arith.cmpi ne, %convert_element_type3A_615, %cond3A_616 : i32
      scf.if %cond3A_617 {
        %dma_wait3A_884 = arith.constant 4 : i32
        %dma_wait3A_885 = arith.constant 4 : i32
        %dma_wait3A_886 = arith.constant 0 : i32
        %dma_wait3A_887 = arith.constant 0 : i32
        %dma_wait3A_888 = tpu.memref_slice %arg6[%dma_wait3A_884, %dma_wait3A_886, %dma_wait3A_887] : memref<8x200x64xf32, #tpu.memory_space<vmem>> -> memref<1x200x64xf32, #tpu.memory_space<vmem>>
        %dma_wait3A_889 = tpu.memref_squeeze %dma_wait3A_888 : memref<1x200x64xf32, #tpu.memory_space<vmem>> -> memref<200x64xf32, #tpu.memory_space<vmem>>
        %dma_wait3A_890 = arith.constant 0 : i32
        %dma_wait3A_891 = arith.constant 0 : i32
        %dma_wait3A_892 = tpu.memref_slice %arg4[%dma_wait3A_890, %dma_wait3A_891] : memref<819200x64xf32, #tpu.memory_space<hbm>> -> memref<200x64xf32, #tpu.memory_space<hbm>>
        %dma_wait3A_893 = tpu.memref_slice %arg9[%dma_wait3A_885] : memref<8x!tpu.dma_semaphore, #tpu.memory_space<semaphore_mem>> -> memref<1x!tpu.dma_semaphore, #tpu.memory_space<semaphore_mem>>
        %dma_wait3A_894 = tpu.memref_squeeze %dma_wait3A_893 : memref<1x!tpu.dma_semaphore, #tpu.memory_space<semaphore_mem>> -> memref<!tpu.dma_semaphore, #tpu.memory_space<semaphore_mem>>
        %dma_wait3A_895 = arith.constant 0 : i32
        %dma_wait3A_896 = arith.constant 0 : i32
        %dma_wait3A_897 = tpu.memref_slice %arg4[%dma_wait3A_895, %dma_wait3A_896] : memref<819200x64xf32, #tpu.memory_space<hbm>> -> memref<200x64xf32, #tpu.memory_space<hbm>>
        %dma_wait3A_898 = arith.constant 0 : i32
        %dma_wait3A_899 = arith.constant 0 : i32
        %dma_wait3A_900 = tpu.memref_slice %arg6[%dma_wait3A_884, %dma_wait3A_898, %dma_wait3A_899] : memref<8x200x64xf32, #tpu.memory_space<vmem>> -> memref<1x200x64xf32, #tpu.memory_space<vmem>>
        %dma_wait3A_901 = tpu.memref_squeeze %dma_wait3A_900 : memref<1x200x64xf32, #tpu.memory_space<vmem>> -> memref<200x64xf32, #tpu.memory_space<vmem>>
        tpu.wait_dma2 semaphore(%dma_wait3A_894 : memref<!tpu.dma_semaphore, #tpu.memory_space<semaphore_mem>>) src(%dma_wait3A_901 : memref<200x64xf32, #tpu.memory_space<vmem>>) dst(%dma_wait3A_897 : memref<200x64xf32, #tpu.memory_space<hbm>>)
      } else {
      }
      %dma_wait3A_618 = arith.constant 4 : i32
      %dma_wait3A_619 = arith.constant 4 : i32
      %dma_wait3A_620 = arith.constant 0 : i32
      %dma_wait3A_621 = tpu.memref_slice %arg5[%dma_wait3A_618, %dma_wait3A_620] : memref<8x200xi32, #tpu.memory_space<vmem>> -> memref<1x200xi32, #tpu.memory_space<vmem>>
      %dma_wait3A_622 = tpu.memref_squeeze %dma_wait3A_621 : memref<1x200xi32, #tpu.memory_space<vmem>> -> memref<200xi32, #tpu.memory_space<vmem>>
      %dma_wait3A_623 = arith.constant 0 : i32
      %dma_wait3A_624 = tpu.memref_slice %arg2[%dma_wait3A_623] : memref<819200xi32, #tpu.memory_space<hbm>> -> memref<200xi32, #tpu.memory_space<hbm>>
      %dma_wait3A_625 = tpu.memref_slice %arg7[%dma_wait3A_619] : memref<8x!tpu.dma_semaphore, #tpu.memory_space<semaphore_mem>> -> memref<1x!tpu.dma_semaphore, #tpu.memory_space<semaphore_mem>>
      %dma_wait3A_626 = tpu.memref_squeeze %dma_wait3A_625 : memref<1x!tpu.dma_semaphore, #tpu.memory_space<semaphore_mem>> -> memref<!tpu.dma_semaphore, #tpu.memory_space<semaphore_mem>>
      %dma_wait3A_627 = arith.constant 0 : i32
      %dma_wait3A_628 = tpu.memref_slice %arg5[%dma_wait3A_618, %dma_wait3A_627] : memref<8x200xi32, #tpu.memory_space<vmem>> -> memref<1x200xi32, #tpu.memory_space<vmem>>
      %dma_wait3A_629 = tpu.memref_squeeze %dma_wait3A_628 : memref<1x200xi32, #tpu.memory_space<vmem>> -> memref<200xi32, #tpu.memory_space<vmem>>
      %dma_wait3A_630 = arith.constant 0 : i32
      %dma_wait3A_631 = tpu.memref_slice %arg2[%dma_wait3A_630] : memref<819200xi32, #tpu.memory_space<hbm>> -> memref<200xi32, #tpu.memory_space<hbm>>
      tpu.wait_dma2 semaphore(%dma_wait3A_626 : memref<!tpu.dma_semaphore, #tpu.memory_space<semaphore_mem>>) src(%dma_wait3A_631 : memref<200xi32, #tpu.memory_space<hbm>>) dst(%dma_wait3A_629 : memref<200xi32, #tpu.memory_space<vmem>>)
      %dma_start3A_632 = arith.constant 4 : i32
      %dma_start3A_633 = arith.constant 4 : i32
      %dma_start3A_634 = arith.constant 4 : i32
      %dma_start3A_635 = arith.constant 0 : i32
      %dma_start3A_636 = arith.constant 0 : i32
      %dma_start3A_637 = tpu.memref_slice %arg6[%dma_start3A_633, %dma_start3A_635, %dma_start3A_636] : memref<8x200x64xf32, #tpu.memory_space<vmem>> -> memref<1x200x64xf32, #tpu.memory_space<vmem>>
      %dma_start3A_638 = tpu.memref_squeeze %dma_start3A_637 : memref<1x200x64xf32, #tpu.memory_space<vmem>> -> memref<200x64xf32, #tpu.memory_space<vmem>>
      %dma_start3A_639 = arith.constant 0 : i32
      %dma_start3A_640 = tpu.memref_slice %arg5[%dma_start3A_632, %dma_start3A_639] : memref<8x200xi32, #tpu.memory_space<vmem>> -> memref<1x200xi32, #tpu.memory_space<vmem>>
      %dma_start3A_641 = tpu.memref_squeeze %dma_start3A_640 : memref<1x200xi32, #tpu.memory_space<vmem>> -> memref<200xi32, #tpu.memory_space<vmem>>
      %dma_start3A_642 = arith.constant 0 : i32
      %dma_start3A_643 = arith.constant 0 : i32
      %dma_start3A_644 = tpu.memref_slice %arg3[%dma_start3A_642, %dma_start3A_643] : memref<1000000x64xf32, #tpu.memory_space<hbm>> -> memref<1000000x64xf32, #tpu.memory_space<hbm>>
      %dma_start3A_645 = tpu.memref_slice %arg8[%dma_start3A_634] : memref<8x!tpu.dma_semaphore, #tpu.memory_space<semaphore_mem>> -> memref<1x!tpu.dma_semaphore, #tpu.memory_space<semaphore_mem>>
      %dma_start3A_646 = tpu.memref_squeeze %dma_start3A_645 : memref<1x!tpu.dma_semaphore, #tpu.memory_space<semaphore_mem>> -> memref<!tpu.dma_semaphore, #tpu.memory_space<semaphore_mem>>
      tpu.enqueue_indirect_dma source(%dma_start3A_644 : memref<1000000x64xf32, #tpu.memory_space<hbm>>) target(%dma_start3A_638 : memref<200x64xf32, #tpu.memory_space<vmem>>) offsets(%dma_start3A_641 : memref<200xi32, #tpu.memory_space<vmem>>) semaphore(%dma_start3A_646 : memref<!tpu.dma_semaphore, #tpu.memory_space<semaphore_mem>>)
      %mul3A_647 = arith.constant 8 : i32
      %mul3A_648 = arith.muli %scan3A_328, %mul3A_647 : i32
      %add3A_649 = arith.constant 5 : i32
      %add3A_650 = arith.addi %mul3A_648, %add3A_649 : i32
      %dma_wait3A_651 = arith.constant 3 : i32
      %dma_wait3A_652 = arith.constant 3 : i32
      %dma_wait3A_653 = arith.constant 3 : i32
      %dma_wait3A_654 = arith.constant 0 : i32
      %dma_wait3A_655 = arith.constant 0 : i32
      %dma_wait3A_656 = tpu.memref_slice %arg6[%dma_wait3A_652, %dma_wait3A_654, %dma_wait3A_655] : memref<8x200x64xf32, #tpu.memory_space<vmem>> -> memref<1x200x64xf32, #tpu.memory_space<vmem>>
      %dma_wait3A_657 = tpu.memref_squeeze %dma_wait3A_656 : memref<1x200x64xf32, #tpu.memory_space<vmem>> -> memref<200x64xf32, #tpu.memory_space<vmem>>
      %dma_wait3A_658 = arith.constant 0 : i32
      %dma_wait3A_659 = tpu.memref_slice %arg5[%dma_wait3A_651, %dma_wait3A_658] : memref<8x200xi32, #tpu.memory_space<vmem>> -> memref<1x200xi32, #tpu.memory_space<vmem>>
      %dma_wait3A_660 = tpu.memref_squeeze %dma_wait3A_659 : memref<1x200xi32, #tpu.memory_space<vmem>> -> memref<200xi32, #tpu.memory_space<vmem>>
      %dma_wait3A_661 = arith.constant 0 : i32
      %dma_wait3A_662 = arith.constant 0 : i32
      %dma_wait3A_663 = tpu.memref_slice %arg3[%dma_wait3A_661, %dma_wait3A_662] : memref<1000000x64xf32, #tpu.memory_space<hbm>> -> memref<1000000x64xf32, #tpu.memory_space<hbm>>
      %dma_wait3A_664 = tpu.memref_slice %arg8[%dma_wait3A_653] : memref<8x!tpu.dma_semaphore, #tpu.memory_space<semaphore_mem>> -> memref<1x!tpu.dma_semaphore, #tpu.memory_space<semaphore_mem>>
      %dma_wait3A_665 = tpu.memref_squeeze %dma_wait3A_664 : memref<1x!tpu.dma_semaphore, #tpu.memory_space<semaphore_mem>> -> memref<!tpu.dma_semaphore, #tpu.memory_space<semaphore_mem>>
      tpu.wait_indirect_dma semaphore(%dma_wait3A_665 : memref<!tpu.dma_semaphore, #tpu.memory_space<semaphore_mem>>) src(%dma_wait3A_663 : memref<1000000x64xf32, #tpu.memory_space<hbm>>) dst(%dma_wait3A_657 : memref<200x64xf32, #tpu.memory_space<vmem>>)
      %lt3A_666 = arith.constant 15 : i32
      %lt3A_667 = arith.cmpi slt, %scan3A_328, %lt3A_666 : i32
      %convert_element_type3A_668 = arith.extui %lt3A_667 : i1 to i32
      %cond3A_669 = arith.constant 0 : i32
      %cond3A_670 = arith.cmpi ne, %convert_element_type3A_668, %cond3A_669 : i32
      scf.if %cond3A_670 {
        %sub3A_884 = arith.constant 2 : i32
        %sub3A_885 = arith.subi %add3A_650, %sub3A_884 : i32
        %add3A_886 = arith.constant 8 : i32
        %add3A_887 = arith.addi %sub3A_885, %add3A_886 : i32
        %mul3A_888 = arith.constant 200 : i32
        %mul3A_889 = arith.muli %add3A_887, %mul3A_888 : i32
        %add3A_890 = arith.addi %mul3A_2, %mul3A_889 : i32
        %dma_start3A_891 = arith.constant 3 : i32
        %dma_start3A_892 = arith.constant 3 : i32
        %dma_start3A_893 = arith.constant 0 : i32
        %dma_start3A_894 = tpu.memref_slice %arg5[%dma_start3A_891, %dma_start3A_893] : memref<8x200xi32, #tpu.memory_space<vmem>> -> memref<1x200xi32, #tpu.memory_space<vmem>>
        %dma_start3A_895 = tpu.memref_squeeze %dma_start3A_894 : memref<1x200xi32, #tpu.memory_space<vmem>> -> memref<200xi32, #tpu.memory_space<vmem>>
        %dma_start3A_896 = tpu.memref_slice %arg2[%add3A_890] : memref<819200xi32, #tpu.memory_space<hbm>> -> memref<200xi32, #tpu.memory_space<hbm>>
        %dma_start3A_897 = tpu.memref_slice %arg7[%dma_start3A_892] : memref<8x!tpu.dma_semaphore, #tpu.memory_space<semaphore_mem>> -> memref<1x!tpu.dma_semaphore, #tpu.memory_space<semaphore_mem>>
        %dma_start3A_898 = tpu.memref_squeeze %dma_start3A_897 : memref<1x!tpu.dma_semaphore, #tpu.memory_space<semaphore_mem>> -> memref<!tpu.dma_semaphore, #tpu.memory_space<semaphore_mem>>
        %dma_start3A_899 = arith.constant 0 : i32
        %dma_start3A_900 = tpu.memref_slice %arg5[%dma_start3A_891, %dma_start3A_899] : memref<8x200xi32, #tpu.memory_space<vmem>> -> memref<1x200xi32, #tpu.memory_space<vmem>>
        %dma_start3A_901 = tpu.memref_squeeze %dma_start3A_900 : memref<1x200xi32, #tpu.memory_space<vmem>> -> memref<200xi32, #tpu.memory_space<vmem>>
        %dma_start3A_902 = tpu.memref_slice %arg2[%add3A_890] : memref<819200xi32, #tpu.memory_space<hbm>> -> memref<200xi32, #tpu.memory_space<hbm>>
        tpu.enqueue_dma source(%dma_start3A_902 : memref<200xi32, #tpu.memory_space<hbm>>) target(%dma_start3A_901 : memref<200xi32, #tpu.memory_space<vmem>>) target_semaphore(%dma_start3A_898 : memref<!tpu.dma_semaphore, #tpu.memory_space<semaphore_mem>>)
      } else {
      }
      %sub3A_671 = arith.constant 2 : i32
      %sub3A_672 = arith.subi %add3A_650, %sub3A_671 : i32
      %mul3A_673 = arith.constant 200 : i32
      %mul3A_674 = arith.muli %sub3A_672, %mul3A_673 : i32
      %add3A_675 = arith.addi %mul3A_2, %mul3A_674 : i32
      %dma_start3A_676 = arith.constant 3 : i32
      %dma_start3A_677 = arith.constant 3 : i32
      %dma_start3A_678 = arith.constant 0 : i32
      %dma_start3A_679 = arith.constant 0 : i32
      %dma_start3A_680 = tpu.memref_slice %arg6[%dma_start3A_676, %dma_start3A_678, %dma_start3A_679] : memref<8x200x64xf32, #tpu.memory_space<vmem>> -> memref<1x200x64xf32, #tpu.memory_space<vmem>>
      %dma_start3A_681 = tpu.memref_squeeze %dma_start3A_680 : memref<1x200x64xf32, #tpu.memory_space<vmem>> -> memref<200x64xf32, #tpu.memory_space<vmem>>
      %dma_start3A_682 = arith.constant 0 : i32
      %dma_start3A_683 = tpu.memref_slice %arg4[%add3A_675, %dma_start3A_682] : memref<819200x64xf32, #tpu.memory_space<hbm>> -> memref<200x64xf32, #tpu.memory_space<hbm>>
      %dma_start3A_684 = tpu.memref_slice %arg9[%dma_start3A_677] : memref<8x!tpu.dma_semaphore, #tpu.memory_space<semaphore_mem>> -> memref<1x!tpu.dma_semaphore, #tpu.memory_space<semaphore_mem>>
      %dma_start3A_685 = tpu.memref_squeeze %dma_start3A_684 : memref<1x!tpu.dma_semaphore, #tpu.memory_space<semaphore_mem>> -> memref<!tpu.dma_semaphore, #tpu.memory_space<semaphore_mem>>
      %dma_start3A_686 = arith.constant 0 : i32
      %dma_start3A_687 = tpu.memref_slice %arg4[%add3A_675, %dma_start3A_686] : memref<819200x64xf32, #tpu.memory_space<hbm>> -> memref<200x64xf32, #tpu.memory_space<hbm>>
      %dma_start3A_688 = arith.constant 0 : i32
      %dma_start3A_689 = arith.constant 0 : i32
      %dma_start3A_690 = tpu.memref_slice %arg6[%dma_start3A_676, %dma_start3A_688, %dma_start3A_689] : memref<8x200x64xf32, #tpu.memory_space<vmem>> -> memref<1x200x64xf32, #tpu.memory_space<vmem>>
      %dma_start3A_691 = tpu.memref_squeeze %dma_start3A_690 : memref<1x200x64xf32, #tpu.memory_space<vmem>> -> memref<200x64xf32, #tpu.memory_space<vmem>>
      tpu.enqueue_dma source(%dma_start3A_691 : memref<200x64xf32, #tpu.memory_space<vmem>>) target(%dma_start3A_687 : memref<200x64xf32, #tpu.memory_space<hbm>>) target_semaphore(%dma_start3A_685 : memref<!tpu.dma_semaphore, #tpu.memory_space<semaphore_mem>>)
      %gt3A_692 = arith.constant 0 : i32
      %gt3A_693 = arith.cmpi sgt, %scan3A_328, %gt3A_692 : i32
      %convert_element_type3A_694 = arith.extui %gt3A_693 : i1 to i32
      %cond3A_695 = arith.constant 0 : i32
      %cond3A_696 = arith.cmpi ne, %convert_element_type3A_694, %cond3A_695 : i32
      scf.if %cond3A_696 {
        %dma_wait3A_884 = arith.constant 5 : i32
        %dma_wait3A_885 = arith.constant 5 : i32
        %dma_wait3A_886 = arith.constant 0 : i32
        %dma_wait3A_887 = arith.constant 0 : i32
        %dma_wait3A_888 = tpu.memref_slice %arg6[%dma_wait3A_884, %dma_wait3A_886, %dma_wait3A_887] : memref<8x200x64xf32, #tpu.memory_space<vmem>> -> memref<1x200x64xf32, #tpu.memory_space<vmem>>
        %dma_wait3A_889 = tpu.memref_squeeze %dma_wait3A_888 : memref<1x200x64xf32, #tpu.memory_space<vmem>> -> memref<200x64xf32, #tpu.memory_space<vmem>>
        %dma_wait3A_890 = arith.constant 0 : i32
        %dma_wait3A_891 = arith.constant 0 : i32
        %dma_wait3A_892 = tpu.memref_slice %arg4[%dma_wait3A_890, %dma_wait3A_891] : memref<819200x64xf32, #tpu.memory_space<hbm>> -> memref<200x64xf32, #tpu.memory_space<hbm>>
        %dma_wait3A_893 = tpu.memref_slice %arg9[%dma_wait3A_885] : memref<8x!tpu.dma_semaphore, #tpu.memory_space<semaphore_mem>> -> memref<1x!tpu.dma_semaphore, #tpu.memory_space<semaphore_mem>>
        %dma_wait3A_894 = tpu.memref_squeeze %dma_wait3A_893 : memref<1x!tpu.dma_semaphore, #tpu.memory_space<semaphore_mem>> -> memref<!tpu.dma_semaphore, #tpu.memory_space<semaphore_mem>>
        %dma_wait3A_895 = arith.constant 0 : i32
        %dma_wait3A_896 = arith.constant 0 : i32
        %dma_wait3A_897 = tpu.memref_slice %arg4[%dma_wait3A_895, %dma_wait3A_896] : memref<819200x64xf32, #tpu.memory_space<hbm>> -> memref<200x64xf32, #tpu.memory_space<hbm>>
        %dma_wait3A_898 = arith.constant 0 : i32
        %dma_wait3A_899 = arith.constant 0 : i32
        %dma_wait3A_900 = tpu.memref_slice %arg6[%dma_wait3A_884, %dma_wait3A_898, %dma_wait3A_899] : memref<8x200x64xf32, #tpu.memory_space<vmem>> -> memref<1x200x64xf32, #tpu.memory_space<vmem>>
        %dma_wait3A_901 = tpu.memref_squeeze %dma_wait3A_900 : memref<1x200x64xf32, #tpu.memory_space<vmem>> -> memref<200x64xf32, #tpu.memory_space<vmem>>
        tpu.wait_dma2 semaphore(%dma_wait3A_894 : memref<!tpu.dma_semaphore, #tpu.memory_space<semaphore_mem>>) src(%dma_wait3A_901 : memref<200x64xf32, #tpu.memory_space<vmem>>) dst(%dma_wait3A_897 : memref<200x64xf32, #tpu.memory_space<hbm>>)
      } else {
      }
      %dma_wait3A_697 = arith.constant 5 : i32
      %dma_wait3A_698 = arith.constant 5 : i32
      %dma_wait3A_699 = arith.constant 0 : i32
      %dma_wait3A_700 = tpu.memref_slice %arg5[%dma_wait3A_697, %dma_wait3A_699] : memref<8x200xi32, #tpu.memory_space<vmem>> -> memref<1x200xi32, #tpu.memory_space<vmem>>
      %dma_wait3A_701 = tpu.memref_squeeze %dma_wait3A_700 : memref<1x200xi32, #tpu.memory_space<vmem>> -> memref<200xi32, #tpu.memory_space<vmem>>
      %dma_wait3A_702 = arith.constant 0 : i32
      %dma_wait3A_703 = tpu.memref_slice %arg2[%dma_wait3A_702] : memref<819200xi32, #tpu.memory_space<hbm>> -> memref<200xi32, #tpu.memory_space<hbm>>
      %dma_wait3A_704 = tpu.memref_slice %arg7[%dma_wait3A_698] : memref<8x!tpu.dma_semaphore, #tpu.memory_space<semaphore_mem>> -> memref<1x!tpu.dma_semaphore, #tpu.memory_space<semaphore_mem>>
      %dma_wait3A_705 = tpu.memref_squeeze %dma_wait3A_704 : memref<1x!tpu.dma_semaphore, #tpu.memory_space<semaphore_mem>> -> memref<!tpu.dma_semaphore, #tpu.memory_space<semaphore_mem>>
      %dma_wait3A_706 = arith.constant 0 : i32
      %dma_wait3A_707 = tpu.memref_slice %arg5[%dma_wait3A_697, %dma_wait3A_706] : memref<8x200xi32, #tpu.memory_space<vmem>> -> memref<1x200xi32, #tpu.memory_space<vmem>>
      %dma_wait3A_708 = tpu.memref_squeeze %dma_wait3A_707 : memref<1x200xi32, #tpu.memory_space<vmem>> -> memref<200xi32, #tpu.memory_space<vmem>>
      %dma_wait3A_709 = arith.constant 0 : i32
      %dma_wait3A_710 = tpu.memref_slice %arg2[%dma_wait3A_709] : memref<819200xi32, #tpu.memory_space<hbm>> -> memref<200xi32, #tpu.memory_space<hbm>>
      tpu.wait_dma2 semaphore(%dma_wait3A_705 : memref<!tpu.dma_semaphore, #tpu.memory_space<semaphore_mem>>) src(%dma_wait3A_710 : memref<200xi32, #tpu.memory_space<hbm>>) dst(%dma_wait3A_708 : memref<200xi32, #tpu.memory_space<vmem>>)
      %dma_start3A_711 = arith.constant 5 : i32
      %dma_start3A_712 = arith.constant 5 : i32
      %dma_start3A_713 = arith.constant 5 : i32
      %dma_start3A_714 = arith.constant 0 : i32
      %dma_start3A_715 = arith.constant 0 : i32
      %dma_start3A_716 = tpu.memref_slice %arg6[%dma_start3A_712, %dma_start3A_714, %dma_start3A_715] : memref<8x200x64xf32, #tpu.memory_space<vmem>> -> memref<1x200x64xf32, #tpu.memory_space<vmem>>
      %dma_start3A_717 = tpu.memref_squeeze %dma_start3A_716 : memref<1x200x64xf32, #tpu.memory_space<vmem>> -> memref<200x64xf32, #tpu.memory_space<vmem>>
      %dma_start3A_718 = arith.constant 0 : i32
      %dma_start3A_719 = tpu.memref_slice %arg5[%dma_start3A_711, %dma_start3A_718] : memref<8x200xi32, #tpu.memory_space<vmem>> -> memref<1x200xi32, #tpu.memory_space<vmem>>
      %dma_start3A_720 = tpu.memref_squeeze %dma_start3A_719 : memref<1x200xi32, #tpu.memory_space<vmem>> -> memref<200xi32, #tpu.memory_space<vmem>>
      %dma_start3A_721 = arith.constant 0 : i32
      %dma_start3A_722 = arith.constant 0 : i32
      %dma_start3A_723 = tpu.memref_slice %arg3[%dma_start3A_721, %dma_start3A_722] : memref<1000000x64xf32, #tpu.memory_space<hbm>> -> memref<1000000x64xf32, #tpu.memory_space<hbm>>
      %dma_start3A_724 = tpu.memref_slice %arg8[%dma_start3A_713] : memref<8x!tpu.dma_semaphore, #tpu.memory_space<semaphore_mem>> -> memref<1x!tpu.dma_semaphore, #tpu.memory_space<semaphore_mem>>
      %dma_start3A_725 = tpu.memref_squeeze %dma_start3A_724 : memref<1x!tpu.dma_semaphore, #tpu.memory_space<semaphore_mem>> -> memref<!tpu.dma_semaphore, #tpu.memory_space<semaphore_mem>>
      tpu.enqueue_indirect_dma source(%dma_start3A_723 : memref<1000000x64xf32, #tpu.memory_space<hbm>>) target(%dma_start3A_717 : memref<200x64xf32, #tpu.memory_space<vmem>>) offsets(%dma_start3A_720 : memref<200xi32, #tpu.memory_space<vmem>>) semaphore(%dma_start3A_725 : memref<!tpu.dma_semaphore, #tpu.memory_space<semaphore_mem>>)
      %mul3A_726 = arith.constant 8 : i32
      %mul3A_727 = arith.muli %scan3A_328, %mul3A_726 : i32
      %add3A_728 = arith.constant 6 : i32
      %add3A_729 = arith.addi %mul3A_727, %add3A_728 : i32
      %dma_wait3A_730 = arith.constant 4 : i32
      %dma_wait3A_731 = arith.constant 4 : i32
      %dma_wait3A_732 = arith.constant 4 : i32
      %dma_wait3A_733 = arith.constant 0 : i32
      %dma_wait3A_734 = arith.constant 0 : i32
      %dma_wait3A_735 = tpu.memref_slice %arg6[%dma_wait3A_731, %dma_wait3A_733, %dma_wait3A_734] : memref<8x200x64xf32, #tpu.memory_space<vmem>> -> memref<1x200x64xf32, #tpu.memory_space<vmem>>
      %dma_wait3A_736 = tpu.memref_squeeze %dma_wait3A_735 : memref<1x200x64xf32, #tpu.memory_space<vmem>> -> memref<200x64xf32, #tpu.memory_space<vmem>>
      %dma_wait3A_737 = arith.constant 0 : i32
      %dma_wait3A_738 = tpu.memref_slice %arg5[%dma_wait3A_730, %dma_wait3A_737] : memref<8x200xi32, #tpu.memory_space<vmem>> -> memref<1x200xi32, #tpu.memory_space<vmem>>
      %dma_wait3A_739 = tpu.memref_squeeze %dma_wait3A_738 : memref<1x200xi32, #tpu.memory_space<vmem>> -> memref<200xi32, #tpu.memory_space<vmem>>
      %dma_wait3A_740 = arith.constant 0 : i32
      %dma_wait3A_741 = arith.constant 0 : i32
      %dma_wait3A_742 = tpu.memref_slice %arg3[%dma_wait3A_740, %dma_wait3A_741] : memref<1000000x64xf32, #tpu.memory_space<hbm>> -> memref<1000000x64xf32, #tpu.memory_space<hbm>>
      %dma_wait3A_743 = tpu.memref_slice %arg8[%dma_wait3A_732] : memref<8x!tpu.dma_semaphore, #tpu.memory_space<semaphore_mem>> -> memref<1x!tpu.dma_semaphore, #tpu.memory_space<semaphore_mem>>
      %dma_wait3A_744 = tpu.memref_squeeze %dma_wait3A_743 : memref<1x!tpu.dma_semaphore, #tpu.memory_space<semaphore_mem>> -> memref<!tpu.dma_semaphore, #tpu.memory_space<semaphore_mem>>
      tpu.wait_indirect_dma semaphore(%dma_wait3A_744 : memref<!tpu.dma_semaphore, #tpu.memory_space<semaphore_mem>>) src(%dma_wait3A_742 : memref<1000000x64xf32, #tpu.memory_space<hbm>>) dst(%dma_wait3A_736 : memref<200x64xf32, #tpu.memory_space<vmem>>)
      %lt3A_745 = arith.constant 15 : i32
      %lt3A_746 = arith.cmpi slt, %scan3A_328, %lt3A_745 : i32
      %convert_element_type3A_747 = arith.extui %lt3A_746 : i1 to i32
      %cond3A_748 = arith.constant 0 : i32
      %cond3A_749 = arith.cmpi ne, %convert_element_type3A_747, %cond3A_748 : i32
      scf.if %cond3A_749 {
        %sub3A_884 = arith.constant 2 : i32
        %sub3A_885 = arith.subi %add3A_729, %sub3A_884 : i32
        %add3A_886 = arith.constant 8 : i32
        %add3A_887 = arith.addi %sub3A_885, %add3A_886 : i32
        %mul3A_888 = arith.constant 200 : i32
        %mul3A_889 = arith.muli %add3A_887, %mul3A_888 : i32
        %add3A_890 = arith.addi %mul3A_2, %mul3A_889 : i32
        %dma_start3A_891 = arith.constant 4 : i32
        %dma_start3A_892 = arith.constant 4 : i32
        %dma_start3A_893 = arith.constant 0 : i32
        %dma_start3A_894 = tpu.memref_slice %arg5[%dma_start3A_891, %dma_start3A_893] : memref<8x200xi32, #tpu.memory_space<vmem>> -> memref<1x200xi32, #tpu.memory_space<vmem>>
        %dma_start3A_895 = tpu.memref_squeeze %dma_start3A_894 : memref<1x200xi32, #tpu.memory_space<vmem>> -> memref<200xi32, #tpu.memory_space<vmem>>
        %dma_start3A_896 = tpu.memref_slice %arg2[%add3A_890] : memref<819200xi32, #tpu.memory_space<hbm>> -> memref<200xi32, #tpu.memory_space<hbm>>
        %dma_start3A_897 = tpu.memref_slice %arg7[%dma_start3A_892] : memref<8x!tpu.dma_semaphore, #tpu.memory_space<semaphore_mem>> -> memref<1x!tpu.dma_semaphore, #tpu.memory_space<semaphore_mem>>
        %dma_start3A_898 = tpu.memref_squeeze %dma_start3A_897 : memref<1x!tpu.dma_semaphore, #tpu.memory_space<semaphore_mem>> -> memref<!tpu.dma_semaphore, #tpu.memory_space<semaphore_mem>>
        %dma_start3A_899 = arith.constant 0 : i32
        %dma_start3A_900 = tpu.memref_slice %arg5[%dma_start3A_891, %dma_start3A_899] : memref<8x200xi32, #tpu.memory_space<vmem>> -> memref<1x200xi32, #tpu.memory_space<vmem>>
        %dma_start3A_901 = tpu.memref_squeeze %dma_start3A_900 : memref<1x200xi32, #tpu.memory_space<vmem>> -> memref<200xi32, #tpu.memory_space<vmem>>
        %dma_start3A_902 = tpu.memref_slice %arg2[%add3A_890] : memref<819200xi32, #tpu.memory_space<hbm>> -> memref<200xi32, #tpu.memory_space<hbm>>
        tpu.enqueue_dma source(%dma_start3A_902 : memref<200xi32, #tpu.memory_space<hbm>>) target(%dma_start3A_901 : memref<200xi32, #tpu.memory_space<vmem>>) target_semaphore(%dma_start3A_898 : memref<!tpu.dma_semaphore, #tpu.memory_space<semaphore_mem>>)
      } else {
      }
      %sub3A_750 = arith.constant 2 : i32
      %sub3A_751 = arith.subi %add3A_729, %sub3A_750 : i32
      %mul3A_752 = arith.constant 200 : i32
      %mul3A_753 = arith.muli %sub3A_751, %mul3A_752 : i32
      %add3A_754 = arith.addi %mul3A_2, %mul3A_753 : i32
      %dma_start3A_755 = arith.constant 4 : i32
      %dma_start3A_756 = arith.constant 4 : i32
      %dma_start3A_757 = arith.constant 0 : i32
      %dma_start3A_758 = arith.constant 0 : i32
      %dma_start3A_759 = tpu.memref_slice %arg6[%dma_start3A_755, %dma_start3A_757, %dma_start3A_758] : memref<8x200x64xf32, #tpu.memory_space<vmem>> -> memref<1x200x64xf32, #tpu.memory_space<vmem>>
      %dma_start3A_760 = tpu.memref_squeeze %dma_start3A_759 : memref<1x200x64xf32, #tpu.memory_space<vmem>> -> memref<200x64xf32, #tpu.memory_space<vmem>>
      %dma_start3A_761 = arith.constant 0 : i32
      %dma_start3A_762 = tpu.memref_slice %arg4[%add3A_754, %dma_start3A_761] : memref<819200x64xf32, #tpu.memory_space<hbm>> -> memref<200x64xf32, #tpu.memory_space<hbm>>
      %dma_start3A_763 = tpu.memref_slice %arg9[%dma_start3A_756] : memref<8x!tpu.dma_semaphore, #tpu.memory_space<semaphore_mem>> -> memref<1x!tpu.dma_semaphore, #tpu.memory_space<semaphore_mem>>
      %dma_start3A_764 = tpu.memref_squeeze %dma_start3A_763 : memref<1x!tpu.dma_semaphore, #tpu.memory_space<semaphore_mem>> -> memref<!tpu.dma_semaphore, #tpu.memory_space<semaphore_mem>>
      %dma_start3A_765 = arith.constant 0 : i32
      %dma_start3A_766 = tpu.memref_slice %arg4[%add3A_754, %dma_start3A_765] : memref<819200x64xf32, #tpu.memory_space<hbm>> -> memref<200x64xf32, #tpu.memory_space<hbm>>
      %dma_start3A_767 = arith.constant 0 : i32
      %dma_start3A_768 = arith.constant 0 : i32
      %dma_start3A_769 = tpu.memref_slice %arg6[%dma_start3A_755, %dma_start3A_767, %dma_start3A_768] : memref<8x200x64xf32, #tpu.memory_space<vmem>> -> memref<1x200x64xf32, #tpu.memory_space<vmem>>
      %dma_start3A_770 = tpu.memref_squeeze %dma_start3A_769 : memref<1x200x64xf32, #tpu.memory_space<vmem>> -> memref<200x64xf32, #tpu.memory_space<vmem>>
      tpu.enqueue_dma source(%dma_start3A_770 : memref<200x64xf32, #tpu.memory_space<vmem>>) target(%dma_start3A_766 : memref<200x64xf32, #tpu.memory_space<hbm>>) target_semaphore(%dma_start3A_764 : memref<!tpu.dma_semaphore, #tpu.memory_space<semaphore_mem>>)
      %gt3A_771 = arith.constant 0 : i32
      %gt3A_772 = arith.cmpi sgt, %scan3A_328, %gt3A_771 : i32
      %convert_element_type3A_773 = arith.extui %gt3A_772 : i1 to i32
      %cond3A_774 = arith.constant 0 : i32
      %cond3A_775 = arith.cmpi ne, %convert_element_type3A_773, %cond3A_774 : i32
      scf.if %cond3A_775 {
        %dma_wait3A_884 = arith.constant 6 : i32
        %dma_wait3A_885 = arith.constant 6 : i32
        %dma_wait3A_886 = arith.constant 0 : i32
        %dma_wait3A_887 = arith.constant 0 : i32
        %dma_wait3A_888 = tpu.memref_slice %arg6[%dma_wait3A_884, %dma_wait3A_886, %dma_wait3A_887] : memref<8x200x64xf32, #tpu.memory_space<vmem>> -> memref<1x200x64xf32, #tpu.memory_space<vmem>>
        %dma_wait3A_889 = tpu.memref_squeeze %dma_wait3A_888 : memref<1x200x64xf32, #tpu.memory_space<vmem>> -> memref<200x64xf32, #tpu.memory_space<vmem>>
        %dma_wait3A_890 = arith.constant 0 : i32
        %dma_wait3A_891 = arith.constant 0 : i32
        %dma_wait3A_892 = tpu.memref_slice %arg4[%dma_wait3A_890, %dma_wait3A_891] : memref<819200x64xf32, #tpu.memory_space<hbm>> -> memref<200x64xf32, #tpu.memory_space<hbm>>
        %dma_wait3A_893 = tpu.memref_slice %arg9[%dma_wait3A_885] : memref<8x!tpu.dma_semaphore, #tpu.memory_space<semaphore_mem>> -> memref<1x!tpu.dma_semaphore, #tpu.memory_space<semaphore_mem>>
        %dma_wait3A_894 = tpu.memref_squeeze %dma_wait3A_893 : memref<1x!tpu.dma_semaphore, #tpu.memory_space<semaphore_mem>> -> memref<!tpu.dma_semaphore, #tpu.memory_space<semaphore_mem>>
        %dma_wait3A_895 = arith.constant 0 : i32
        %dma_wait3A_896 = arith.constant 0 : i32
        %dma_wait3A_897 = tpu.memref_slice %arg4[%dma_wait3A_895, %dma_wait3A_896] : memref<819200x64xf32, #tpu.memory_space<hbm>> -> memref<200x64xf32, #tpu.memory_space<hbm>>
        %dma_wait3A_898 = arith.constant 0 : i32
        %dma_wait3A_899 = arith.constant 0 : i32
        %dma_wait3A_900 = tpu.memref_slice %arg6[%dma_wait3A_884, %dma_wait3A_898, %dma_wait3A_899] : memref<8x200x64xf32, #tpu.memory_space<vmem>> -> memref<1x200x64xf32, #tpu.memory_space<vmem>>
        %dma_wait3A_901 = tpu.memref_squeeze %dma_wait3A_900 : memref<1x200x64xf32, #tpu.memory_space<vmem>> -> memref<200x64xf32, #tpu.memory_space<vmem>>
        tpu.wait_dma2 semaphore(%dma_wait3A_894 : memref<!tpu.dma_semaphore, #tpu.memory_space<semaphore_mem>>) src(%dma_wait3A_901 : memref<200x64xf32, #tpu.memory_space<vmem>>) dst(%dma_wait3A_897 : memref<200x64xf32, #tpu.memory_space<hbm>>)
      } else {
      }
      %dma_wait3A_776 = arith.constant 6 : i32
      %dma_wait3A_777 = arith.constant 6 : i32
      %dma_wait3A_778 = arith.constant 0 : i32
      %dma_wait3A_779 = tpu.memref_slice %arg5[%dma_wait3A_776, %dma_wait3A_778] : memref<8x200xi32, #tpu.memory_space<vmem>> -> memref<1x200xi32, #tpu.memory_space<vmem>>
      %dma_wait3A_780 = tpu.memref_squeeze %dma_wait3A_779 : memref<1x200xi32, #tpu.memory_space<vmem>> -> memref<200xi32, #tpu.memory_space<vmem>>
      %dma_wait3A_781 = arith.constant 0 : i32
      %dma_wait3A_782 = tpu.memref_slice %arg2[%dma_wait3A_781] : memref<819200xi32, #tpu.memory_space<hbm>> -> memref<200xi32, #tpu.memory_space<hbm>>
      %dma_wait3A_783 = tpu.memref_slice %arg7[%dma_wait3A_777] : memref<8x!tpu.dma_semaphore, #tpu.memory_space<semaphore_mem>> -> memref<1x!tpu.dma_semaphore, #tpu.memory_space<semaphore_mem>>
      %dma_wait3A_784 = tpu.memref_squeeze %dma_wait3A_783 : memref<1x!tpu.dma_semaphore, #tpu.memory_space<semaphore_mem>> -> memref<!tpu.dma_semaphore, #tpu.memory_space<semaphore_mem>>
      %dma_wait3A_785 = arith.constant 0 : i32
      %dma_wait3A_786 = tpu.memref_slice %arg5[%dma_wait3A_776, %dma_wait3A_785] : memref<8x200xi32, #tpu.memory_space<vmem>> -> memref<1x200xi32, #tpu.memory_space<vmem>>
      %dma_wait3A_787 = tpu.memref_squeeze %dma_wait3A_786 : memref<1x200xi32, #tpu.memory_space<vmem>> -> memref<200xi32, #tpu.memory_space<vmem>>
      %dma_wait3A_788 = arith.constant 0 : i32
      %dma_wait3A_789 = tpu.memref_slice %arg2[%dma_wait3A_788] : memref<819200xi32, #tpu.memory_space<hbm>> -> memref<200xi32, #tpu.memory_space<hbm>>
      tpu.wait_dma2 semaphore(%dma_wait3A_784 : memref<!tpu.dma_semaphore, #tpu.memory_space<semaphore_mem>>) src(%dma_wait3A_789 : memref<200xi32, #tpu.memory_space<hbm>>) dst(%dma_wait3A_787 : memref<200xi32, #tpu.memory_space<vmem>>)
      %dma_start3A_790 = arith.constant 6 : i32
      %dma_start3A_791 = arith.constant 6 : i32
      %dma_start3A_792 = arith.constant 6 : i32
      %dma_start3A_793 = arith.constant 0 : i32
      %dma_start3A_794 = arith.constant 0 : i32
      %dma_start3A_795 = tpu.memref_slice %arg6[%dma_start3A_791, %dma_start3A_793, %dma_start3A_794] : memref<8x200x64xf32, #tpu.memory_space<vmem>> -> memref<1x200x64xf32, #tpu.memory_space<vmem>>
      %dma_start3A_796 = tpu.memref_squeeze %dma_start3A_795 : memref<1x200x64xf32, #tpu.memory_space<vmem>> -> memref<200x64xf32, #tpu.memory_space<vmem>>
      %dma_start3A_797 = arith.constant 0 : i32
      %dma_start3A_798 = tpu.memref_slice %arg5[%dma_start3A_790, %dma_start3A_797] : memref<8x200xi32, #tpu.memory_space<vmem>> -> memref<1x200xi32, #tpu.memory_space<vmem>>
      %dma_start3A_799 = tpu.memref_squeeze %dma_start3A_798 : memref<1x200xi32, #tpu.memory_space<vmem>> -> memref<200xi32, #tpu.memory_space<vmem>>
      %dma_start3A_800 = arith.constant 0 : i32
      %dma_start3A_801 = arith.constant 0 : i32
      %dma_start3A_802 = tpu.memref_slice %arg3[%dma_start3A_800, %dma_start3A_801] : memref<1000000x64xf32, #tpu.memory_space<hbm>> -> memref<1000000x64xf32, #tpu.memory_space<hbm>>
      %dma_start3A_803 = tpu.memref_slice %arg8[%dma_start3A_792] : memref<8x!tpu.dma_semaphore, #tpu.memory_space<semaphore_mem>> -> memref<1x!tpu.dma_semaphore, #tpu.memory_space<semaphore_mem>>
      %dma_start3A_804 = tpu.memref_squeeze %dma_start3A_803 : memref<1x!tpu.dma_semaphore, #tpu.memory_space<semaphore_mem>> -> memref<!tpu.dma_semaphore, #tpu.memory_space<semaphore_mem>>
      tpu.enqueue_indirect_dma source(%dma_start3A_802 : memref<1000000x64xf32, #tpu.memory_space<hbm>>) target(%dma_start3A_796 : memref<200x64xf32, #tpu.memory_space<vmem>>) offsets(%dma_start3A_799 : memref<200xi32, #tpu.memory_space<vmem>>) semaphore(%dma_start3A_804 : memref<!tpu.dma_semaphore, #tpu.memory_space<semaphore_mem>>)
      %mul3A_805 = arith.constant 8 : i32
      %mul3A_806 = arith.muli %scan3A_328, %mul3A_805 : i32
      %add3A_807 = arith.constant 7 : i32
      %add3A_808 = arith.addi %mul3A_806, %add3A_807 : i32
      %dma_wait3A_809 = arith.constant 5 : i32
      %dma_wait3A_810 = arith.constant 5 : i32
      %dma_wait3A_811 = arith.constant 5 : i32
      %dma_wait3A_812 = arith.constant 0 : i32
      %dma_wait3A_813 = arith.constant 0 : i32
      %dma_wait3A_814 = tpu.memref_slice %arg6[%dma_wait3A_810, %dma_wait3A_812, %dma_wait3A_813] : memref<8x200x64xf32, #tpu.memory_space<vmem>> -> memref<1x200x64xf32, #tpu.memory_space<vmem>>
      %dma_wait3A_815 = tpu.memref_squeeze %dma_wait3A_814 : memref<1x200x64xf32, #tpu.memory_space<vmem>> -> memref<200x64xf32, #tpu.memory_space<vmem>>
      %dma_wait3A_816 = arith.constant 0 : i32
      %dma_wait3A_817 = tpu.memref_slice %arg5[%dma_wait3A_809, %dma_wait3A_816] : memref<8x200xi32, #tpu.memory_space<vmem>> -> memref<1x200xi32, #tpu.memory_space<vmem>>
      %dma_wait3A_818 = tpu.memref_squeeze %dma_wait3A_817 : memref<1x200xi32, #tpu.memory_space<vmem>> -> memref<200xi32, #tpu.memory_space<vmem>>
      %dma_wait3A_819 = arith.constant 0 : i32
      %dma_wait3A_820 = arith.constant 0 : i32
      %dma_wait3A_821 = tpu.memref_slice %arg3[%dma_wait3A_819, %dma_wait3A_820] : memref<1000000x64xf32, #tpu.memory_space<hbm>> -> memref<1000000x64xf32, #tpu.memory_space<hbm>>
      %dma_wait3A_822 = tpu.memref_slice %arg8[%dma_wait3A_811] : memref<8x!tpu.dma_semaphore, #tpu.memory_space<semaphore_mem>> -> memref<1x!tpu.dma_semaphore, #tpu.memory_space<semaphore_mem>>
      %dma_wait3A_823 = tpu.memref_squeeze %dma_wait3A_822 : memref<1x!tpu.dma_semaphore, #tpu.memory_space<semaphore_mem>> -> memref<!tpu.dma_semaphore, #tpu.memory_space<semaphore_mem>>
      tpu.wait_indirect_dma semaphore(%dma_wait3A_823 : memref<!tpu.dma_semaphore, #tpu.memory_space<semaphore_mem>>) src(%dma_wait3A_821 : memref<1000000x64xf32, #tpu.memory_space<hbm>>) dst(%dma_wait3A_815 : memref<200x64xf32, #tpu.memory_space<vmem>>)
      %lt3A_824 = arith.constant 15 : i32
      %lt3A_825 = arith.cmpi slt, %scan3A_328, %lt3A_824 : i32
      %convert_element_type3A_826 = arith.extui %lt3A_825 : i1 to i32
      %cond3A_827 = arith.constant 0 : i32
      %cond3A_828 = arith.cmpi ne, %convert_element_type3A_826, %cond3A_827 : i32
      scf.if %cond3A_828 {
        %sub3A_884 = arith.constant 2 : i32
        %sub3A_885 = arith.subi %add3A_808, %sub3A_884 : i32
        %add3A_886 = arith.constant 8 : i32
        %add3A_887 = arith.addi %sub3A_885, %add3A_886 : i32
        %mul3A_888 = arith.constant 200 : i32
        %mul3A_889 = arith.muli %add3A_887, %mul3A_888 : i32
        %add3A_890 = arith.addi %mul3A_2, %mul3A_889 : i32
        %dma_start3A_891 = arith.constant 5 : i32
        %dma_start3A_892 = arith.constant 5 : i32
        %dma_start3A_893 = arith.constant 0 : i32
        %dma_start3A_894 = tpu.memref_slice %arg5[%dma_start3A_891, %dma_start3A_893] : memref<8x200xi32, #tpu.memory_space<vmem>> -> memref<1x200xi32, #tpu.memory_space<vmem>>
        %dma_start3A_895 = tpu.memref_squeeze %dma_start3A_894 : memref<1x200xi32, #tpu.memory_space<vmem>> -> memref<200xi32, #tpu.memory_space<vmem>>
        %dma_start3A_896 = tpu.memref_slice %arg2[%add3A_890] : memref<819200xi32, #tpu.memory_space<hbm>> -> memref<200xi32, #tpu.memory_space<hbm>>
        %dma_start3A_897 = tpu.memref_slice %arg7[%dma_start3A_892] : memref<8x!tpu.dma_semaphore, #tpu.memory_space<semaphore_mem>> -> memref<1x!tpu.dma_semaphore, #tpu.memory_space<semaphore_mem>>
        %dma_start3A_898 = tpu.memref_squeeze %dma_start3A_897 : memref<1x!tpu.dma_semaphore, #tpu.memory_space<semaphore_mem>> -> memref<!tpu.dma_semaphore, #tpu.memory_space<semaphore_mem>>
        %dma_start3A_899 = arith.constant 0 : i32
        %dma_start3A_900 = tpu.memref_slice %arg5[%dma_start3A_891, %dma_start3A_899] : memref<8x200xi32, #tpu.memory_space<vmem>> -> memref<1x200xi32, #tpu.memory_space<vmem>>
        %dma_start3A_901 = tpu.memref_squeeze %dma_start3A_900 : memref<1x200xi32, #tpu.memory_space<vmem>> -> memref<200xi32, #tpu.memory_space<vmem>>
        %dma_start3A_902 = tpu.memref_slice %arg2[%add3A_890] : memref<819200xi32, #tpu.memory_space<hbm>> -> memref<200xi32, #tpu.memory_space<hbm>>
        tpu.enqueue_dma source(%dma_start3A_902 : memref<200xi32, #tpu.memory_space<hbm>>) target(%dma_start3A_901 : memref<200xi32, #tpu.memory_space<vmem>>) target_semaphore(%dma_start3A_898 : memref<!tpu.dma_semaphore, #tpu.memory_space<semaphore_mem>>)
      } else {
      }
      %sub3A_829 = arith.constant 2 : i32
      %sub3A_830 = arith.subi %add3A_808, %sub3A_829 : i32
      %mul3A_831 = arith.constant 200 : i32
      %mul3A_832 = arith.muli %sub3A_830, %mul3A_831 : i32
      %add3A_833 = arith.addi %mul3A_2, %mul3A_832 : i32
      %dma_start3A_834 = arith.constant 5 : i32
      %dma_start3A_835 = arith.constant 5 : i32
      %dma_start3A_836 = arith.constant 0 : i32
      %dma_start3A_837 = arith.constant 0 : i32
      %dma_start3A_838 = tpu.memref_slice %arg6[%dma_start3A_834, %dma_start3A_836, %dma_start3A_837] : memref<8x200x64xf32, #tpu.memory_space<vmem>> -> memref<1x200x64xf32, #tpu.memory_space<vmem>>
      %dma_start3A_839 = tpu.memref_squeeze %dma_start3A_838 : memref<1x200x64xf32, #tpu.memory_space<vmem>> -> memref<200x64xf32, #tpu.memory_space<vmem>>
      %dma_start3A_840 = arith.constant 0 : i32
      %dma_start3A_841 = tpu.memref_slice %arg4[%add3A_833, %dma_start3A_840] : memref<819200x64xf32, #tpu.memory_space<hbm>> -> memref<200x64xf32, #tpu.memory_space<hbm>>
      %dma_start3A_842 = tpu.memref_slice %arg9[%dma_start3A_835] : memref<8x!tpu.dma_semaphore, #tpu.memory_space<semaphore_mem>> -> memref<1x!tpu.dma_semaphore, #tpu.memory_space<semaphore_mem>>
      %dma_start3A_843 = tpu.memref_squeeze %dma_start3A_842 : memref<1x!tpu.dma_semaphore, #tpu.memory_space<semaphore_mem>> -> memref<!tpu.dma_semaphore, #tpu.memory_space<semaphore_mem>>
      %dma_start3A_844 = arith.constant 0 : i32
      %dma_start3A_845 = tpu.memref_slice %arg4[%add3A_833, %dma_start3A_844] : memref<819200x64xf32, #tpu.memory_space<hbm>> -> memref<200x64xf32, #tpu.memory_space<hbm>>
      %dma_start3A_846 = arith.constant 0 : i32
      %dma_start3A_847 = arith.constant 0 : i32
      %dma_start3A_848 = tpu.memref_slice %arg6[%dma_start3A_834, %dma_start3A_846, %dma_start3A_847] : memref<8x200x64xf32, #tpu.memory_space<vmem>> -> memref<1x200x64xf32, #tpu.memory_space<vmem>>
      %dma_start3A_849 = tpu.memref_squeeze %dma_start3A_848 : memref<1x200x64xf32, #tpu.memory_space<vmem>> -> memref<200x64xf32, #tpu.memory_space<vmem>>
      tpu.enqueue_dma source(%dma_start3A_849 : memref<200x64xf32, #tpu.memory_space<vmem>>) target(%dma_start3A_845 : memref<200x64xf32, #tpu.memory_space<hbm>>) target_semaphore(%dma_start3A_843 : memref<!tpu.dma_semaphore, #tpu.memory_space<semaphore_mem>>)
      %gt3A_850 = arith.constant 0 : i32
      %gt3A_851 = arith.cmpi sgt, %scan3A_328, %gt3A_850 : i32
      %convert_element_type3A_852 = arith.extui %gt3A_851 : i1 to i32
      %cond3A_853 = arith.constant 0 : i32
      %cond3A_854 = arith.cmpi ne, %convert_element_type3A_852, %cond3A_853 : i32
      scf.if %cond3A_854 {
        %dma_wait3A_884 = arith.constant 7 : i32
        %dma_wait3A_885 = arith.constant 7 : i32
        %dma_wait3A_886 = arith.constant 0 : i32
        %dma_wait3A_887 = arith.constant 0 : i32
        %dma_wait3A_888 = tpu.memref_slice %arg6[%dma_wait3A_884, %dma_wait3A_886, %dma_wait3A_887] : memref<8x200x64xf32, #tpu.memory_space<vmem>> -> memref<1x200x64xf32, #tpu.memory_space<vmem>>
        %dma_wait3A_889 = tpu.memref_squeeze %dma_wait3A_888 : memref<1x200x64xf32, #tpu.memory_space<vmem>> -> memref<200x64xf32, #tpu.memory_space<vmem>>
        %dma_wait3A_890 = arith.constant 0 : i32
        %dma_wait3A_891 = arith.constant 0 : i32
        %dma_wait3A_892 = tpu.memref_slice %arg4[%dma_wait3A_890, %dma_wait3A_891] : memref<819200x64xf32, #tpu.memory_space<hbm>> -> memref<200x64xf32, #tpu.memory_space<hbm>>
        %dma_wait3A_893 = tpu.memref_slice %arg9[%dma_wait3A_885] : memref<8x!tpu.dma_semaphore, #tpu.memory_space<semaphore_mem>> -> memref<1x!tpu.dma_semaphore, #tpu.memory_space<semaphore_mem>>
        %dma_wait3A_894 = tpu.memref_squeeze %dma_wait3A_893 : memref<1x!tpu.dma_semaphore, #tpu.memory_space<semaphore_mem>> -> memref<!tpu.dma_semaphore, #tpu.memory_space<semaphore_mem>>
        %dma_wait3A_895 = arith.constant 0 : i32
        %dma_wait3A_896 = arith.constant 0 : i32
        %dma_wait3A_897 = tpu.memref_slice %arg4[%dma_wait3A_895, %dma_wait3A_896] : memref<819200x64xf32, #tpu.memory_space<hbm>> -> memref<200x64xf32, #tpu.memory_space<hbm>>
        %dma_wait3A_898 = arith.constant 0 : i32
        %dma_wait3A_899 = arith.constant 0 : i32
        %dma_wait3A_900 = tpu.memref_slice %arg6[%dma_wait3A_884, %dma_wait3A_898, %dma_wait3A_899] : memref<8x200x64xf32, #tpu.memory_space<vmem>> -> memref<1x200x64xf32, #tpu.memory_space<vmem>>
        %dma_wait3A_901 = tpu.memref_squeeze %dma_wait3A_900 : memref<1x200x64xf32, #tpu.memory_space<vmem>> -> memref<200x64xf32, #tpu.memory_space<vmem>>
        tpu.wait_dma2 semaphore(%dma_wait3A_894 : memref<!tpu.dma_semaphore, #tpu.memory_space<semaphore_mem>>) src(%dma_wait3A_901 : memref<200x64xf32, #tpu.memory_space<vmem>>) dst(%dma_wait3A_897 : memref<200x64xf32, #tpu.memory_space<hbm>>)
      } else {
      }
      %dma_wait3A_855 = arith.constant 7 : i32
      %dma_wait3A_856 = arith.constant 7 : i32
      %dma_wait3A_857 = arith.constant 0 : i32
      %dma_wait3A_858 = tpu.memref_slice %arg5[%dma_wait3A_855, %dma_wait3A_857] : memref<8x200xi32, #tpu.memory_space<vmem>> -> memref<1x200xi32, #tpu.memory_space<vmem>>
      %dma_wait3A_859 = tpu.memref_squeeze %dma_wait3A_858 : memref<1x200xi32, #tpu.memory_space<vmem>> -> memref<200xi32, #tpu.memory_space<vmem>>
      %dma_wait3A_860 = arith.constant 0 : i32
      %dma_wait3A_861 = tpu.memref_slice %arg2[%dma_wait3A_860] : memref<819200xi32, #tpu.memory_space<hbm>> -> memref<200xi32, #tpu.memory_space<hbm>>
      %dma_wait3A_862 = tpu.memref_slice %arg7[%dma_wait3A_856] : memref<8x!tpu.dma_semaphore, #tpu.memory_space<semaphore_mem>> -> memref<1x!tpu.dma_semaphore, #tpu.memory_space<semaphore_mem>>
      %dma_wait3A_863 = tpu.memref_squeeze %dma_wait3A_862 : memref<1x!tpu.dma_semaphore, #tpu.memory_space<semaphore_mem>> -> memref<!tpu.dma_semaphore, #tpu.memory_space<semaphore_mem>>
      %dma_wait3A_864 = arith.constant 0 : i32
      %dma_wait3A_865 = tpu.memref_slice %arg5[%dma_wait3A_855, %dma_wait3A_864] : memref<8x200xi32, #tpu.memory_space<vmem>> -> memref<1x200xi32, #tpu.memory_space<vmem>>
      %dma_wait3A_866 = tpu.memref_squeeze %dma_wait3A_865 : memref<1x200xi32, #tpu.memory_space<vmem>> -> memref<200xi32, #tpu.memory_space<vmem>>
      %dma_wait3A_867 = arith.constant 0 : i32
      %dma_wait3A_868 = tpu.memref_slice %arg2[%dma_wait3A_867] : memref<819200xi32, #tpu.memory_space<hbm>> -> memref<200xi32, #tpu.memory_space<hbm>>
      tpu.wait_dma2 semaphore(%dma_wait3A_863 : memref<!tpu.dma_semaphore, #tpu.memory_space<semaphore_mem>>) src(%dma_wait3A_868 : memref<200xi32, #tpu.memory_space<hbm>>) dst(%dma_wait3A_866 : memref<200xi32, #tpu.memory_space<vmem>>)
      %dma_start3A_869 = arith.constant 7 : i32
      %dma_start3A_870 = arith.constant 7 : i32
      %dma_start3A_871 = arith.constant 7 : i32
      %dma_start3A_872 = arith.constant 0 : i32
      %dma_start3A_873 = arith.constant 0 : i32
      %dma_start3A_874 = tpu.memref_slice %arg6[%dma_start3A_870, %dma_start3A_872, %dma_start3A_873] : memref<8x200x64xf32, #tpu.memory_space<vmem>> -> memref<1x200x64xf32, #tpu.memory_space<vmem>>
      %dma_start3A_875 = tpu.memref_squeeze %dma_start3A_874 : memref<1x200x64xf32, #tpu.memory_space<vmem>> -> memref<200x64xf32, #tpu.memory_space<vmem>>
      %dma_start3A_876 = arith.constant 0 : i32
      %dma_start3A_877 = tpu.memref_slice %arg5[%dma_start3A_869, %dma_start3A_876] : memref<8x200xi32, #tpu.memory_space<vmem>> -> memref<1x200xi32, #tpu.memory_space<vmem>>
      %dma_start3A_878 = tpu.memref_squeeze %dma_start3A_877 : memref<1x200xi32, #tpu.memory_space<vmem>> -> memref<200xi32, #tpu.memory_space<vmem>>
      %dma_start3A_879 = arith.constant 0 : i32
      %dma_start3A_880 = arith.constant 0 : i32
      %dma_start3A_881 = tpu.memref_slice %arg3[%dma_start3A_879, %dma_start3A_880] : memref<1000000x64xf32, #tpu.memory_space<hbm>> -> memref<1000000x64xf32, #tpu.memory_space<hbm>>
      %dma_start3A_882 = tpu.memref_slice %arg8[%dma_start3A_871] : memref<8x!tpu.dma_semaphore, #tpu.memory_space<semaphore_mem>> -> memref<1x!tpu.dma_semaphore, #tpu.memory_space<semaphore_mem>>
      %dma_start3A_883 = tpu.memref_squeeze %dma_start3A_882 : memref<1x!tpu.dma_semaphore, #tpu.memory_space<semaphore_mem>> -> memref<!tpu.dma_semaphore, #tpu.memory_space<semaphore_mem>>
      tpu.enqueue_indirect_dma source(%dma_start3A_881 : memref<1000000x64xf32, #tpu.memory_space<hbm>>) target(%dma_start3A_875 : memref<200x64xf32, #tpu.memory_space<vmem>>) offsets(%dma_start3A_878 : memref<200xi32, #tpu.memory_space<vmem>>) semaphore(%dma_start3A_883 : memref<!tpu.dma_semaphore, #tpu.memory_space<semaphore_mem>>)
    }
    %scan3A_118 = arith.constant 16 : i32
    %dma_wait3A = arith.constant 6 : i32
    %dma_wait3A_119 = arith.constant 6 : i32
    %dma_wait3A_120 = arith.constant 6 : i32
    %dma_wait3A_121 = arith.constant 0 : i32
    %dma_wait3A_122 = arith.constant 0 : i32
    %dma_wait3A_123 = tpu.memref_slice %arg6[%dma_wait3A_119, %dma_wait3A_121, %dma_wait3A_122] : memref<8x200x64xf32, #tpu.memory_space<vmem>> -> memref<1x200x64xf32, #tpu.memory_space<vmem>>
    %dma_wait3A_124 = tpu.memref_squeeze %dma_wait3A_123 : memref<1x200x64xf32, #tpu.memory_space<vmem>> -> memref<200x64xf32, #tpu.memory_space<vmem>>
    %dma_wait3A_125 = arith.constant 0 : i32
    %dma_wait3A_126 = tpu.memref_slice %arg5[%dma_wait3A, %dma_wait3A_125] : memref<8x200xi32, #tpu.memory_space<vmem>> -> memref<1x200xi32, #tpu.memory_space<vmem>>
    %dma_wait3A_127 = tpu.memref_squeeze %dma_wait3A_126 : memref<1x200xi32, #tpu.memory_space<vmem>> -> memref<200xi32, #tpu.memory_space<vmem>>
    %dma_wait3A_128 = arith.constant 0 : i32
    %dma_wait3A_129 = arith.constant 0 : i32
    %dma_wait3A_130 = tpu.memref_slice %arg3[%dma_wait3A_128, %dma_wait3A_129] : memref<1000000x64xf32, #tpu.memory_space<hbm>> -> memref<1000000x64xf32, #tpu.memory_space<hbm>>
    %dma_wait3A_131 = tpu.memref_slice %arg8[%dma_wait3A_120] : memref<8x!tpu.dma_semaphore, #tpu.memory_space<semaphore_mem>> -> memref<1x!tpu.dma_semaphore, #tpu.memory_space<semaphore_mem>>
    %dma_wait3A_132 = tpu.memref_squeeze %dma_wait3A_131 : memref<1x!tpu.dma_semaphore, #tpu.memory_space<semaphore_mem>> -> memref<!tpu.dma_semaphore, #tpu.memory_space<semaphore_mem>>
    tpu.wait_indirect_dma semaphore(%dma_wait3A_132 : memref<!tpu.dma_semaphore, #tpu.memory_space<semaphore_mem>>) src(%dma_wait3A_130 : memref<1000000x64xf32, #tpu.memory_space<hbm>>) dst(%dma_wait3A_124 : memref<200x64xf32, #tpu.memory_space<vmem>>)
    %add3A_133 = arith.constant 25200 : i32
    %add3A_134 = arith.addi %mul3A_2, %add3A_133 : i32
    %dma_start3A_135 = arith.constant 6 : i32
    %dma_start3A_136 = arith.constant 6 : i32
    %dma_start3A_137 = arith.constant 0 : i32
    %dma_start3A_138 = arith.constant 0 : i32
    %dma_start3A_139 = tpu.memref_slice %arg6[%dma_start3A_135, %dma_start3A_137, %dma_start3A_138] : memref<8x200x64xf32, #tpu.memory_space<vmem>> -> memref<1x200x64xf32, #tpu.memory_space<vmem>>
    %dma_start3A_140 = tpu.memref_squeeze %dma_start3A_139 : memref<1x200x64xf32, #tpu.memory_space<vmem>> -> memref<200x64xf32, #tpu.memory_space<vmem>>
    %dma_start3A_141 = arith.constant 0 : i32
    %dma_start3A_142 = tpu.memref_slice %arg4[%add3A_134, %dma_start3A_141] : memref<819200x64xf32, #tpu.memory_space<hbm>> -> memref<200x64xf32, #tpu.memory_space<hbm>>
    %dma_start3A_143 = tpu.memref_slice %arg9[%dma_start3A_136] : memref<8x!tpu.dma_semaphore, #tpu.memory_space<semaphore_mem>> -> memref<1x!tpu.dma_semaphore, #tpu.memory_space<semaphore_mem>>
    %dma_start3A_144 = tpu.memref_squeeze %dma_start3A_143 : memref<1x!tpu.dma_semaphore, #tpu.memory_space<semaphore_mem>> -> memref<!tpu.dma_semaphore, #tpu.memory_space<semaphore_mem>>
    %dma_start3A_145 = arith.constant 0 : i32
    %dma_start3A_146 = tpu.memref_slice %arg4[%add3A_134, %dma_start3A_145] : memref<819200x64xf32, #tpu.memory_space<hbm>> -> memref<200x64xf32, #tpu.memory_space<hbm>>
    %dma_start3A_147 = arith.constant 0 : i32
    %dma_start3A_148 = arith.constant 0 : i32
    %dma_start3A_149 = tpu.memref_slice %arg6[%dma_start3A_135, %dma_start3A_147, %dma_start3A_148] : memref<8x200x64xf32, #tpu.memory_space<vmem>> -> memref<1x200x64xf32, #tpu.memory_space<vmem>>
    %dma_start3A_150 = tpu.memref_squeeze %dma_start3A_149 : memref<1x200x64xf32, #tpu.memory_space<vmem>> -> memref<200x64xf32, #tpu.memory_space<vmem>>
    tpu.enqueue_dma source(%dma_start3A_150 : memref<200x64xf32, #tpu.memory_space<vmem>>) target(%dma_start3A_146 : memref<200x64xf32, #tpu.memory_space<hbm>>) target_semaphore(%dma_start3A_144 : memref<!tpu.dma_semaphore, #tpu.memory_space<semaphore_mem>>)
    %dma_wait3A_151 = arith.constant 7 : i32
    %dma_wait3A_152 = arith.constant 7 : i32
    %dma_wait3A_153 = arith.constant 7 : i32
    %dma_wait3A_154 = arith.constant 0 : i32
    %dma_wait3A_155 = arith.constant 0 : i32
    %dma_wait3A_156 = tpu.memref_slice %arg6[%dma_wait3A_152, %dma_wait3A_154, %dma_wait3A_155] : memref<8x200x64xf32, #tpu.memory_space<vmem>> -> memref<1x200x64xf32, #tpu.memory_space<vmem>>
    %dma_wait3A_157 = tpu.memref_squeeze %dma_wait3A_156 : memref<1x200x64xf32, #tpu.memory_space<vmem>> -> memref<200x64xf32, #tpu.memory_space<vmem>>
    %dma_wait3A_158 = arith.constant 0 : i32
    %dma_wait3A_159 = tpu.memref_slice %arg5[%dma_wait3A_151, %dma_wait3A_158] : memref<8x200xi32, #tpu.memory_space<vmem>> -> memref<1x200xi32, #tpu.memory_space<vmem>>
    %dma_wait3A_160 = tpu.memref_squeeze %dma_wait3A_159 : memref<1x200xi32, #tpu.memory_space<vmem>> -> memref<200xi32, #tpu.memory_space<vmem>>
    %dma_wait3A_161 = arith.constant 0 : i32
    %dma_wait3A_162 = arith.constant 0 : i32
    %dma_wait3A_163 = tpu.memref_slice %arg3[%dma_wait3A_161, %dma_wait3A_162] : memref<1000000x64xf32, #tpu.memory_space<hbm>> -> memref<1000000x64xf32, #tpu.memory_space<hbm>>
    %dma_wait3A_164 = tpu.memref_slice %arg8[%dma_wait3A_153] : memref<8x!tpu.dma_semaphore, #tpu.memory_space<semaphore_mem>> -> memref<1x!tpu.dma_semaphore, #tpu.memory_space<semaphore_mem>>
    %dma_wait3A_165 = tpu.memref_squeeze %dma_wait3A_164 : memref<1x!tpu.dma_semaphore, #tpu.memory_space<semaphore_mem>> -> memref<!tpu.dma_semaphore, #tpu.memory_space<semaphore_mem>>
    tpu.wait_indirect_dma semaphore(%dma_wait3A_165 : memref<!tpu.dma_semaphore, #tpu.memory_space<semaphore_mem>>) src(%dma_wait3A_163 : memref<1000000x64xf32, #tpu.memory_space<hbm>>) dst(%dma_wait3A_157 : memref<200x64xf32, #tpu.memory_space<vmem>>)
    %add3A_166 = arith.constant 25400 : i32
    %add3A_167 = arith.addi %mul3A_2, %add3A_166 : i32
    %dma_start3A_168 = arith.constant 7 : i32
    %dma_start3A_169 = arith.constant 7 : i32
    %dma_start3A_170 = arith.constant 0 : i32
    %dma_start3A_171 = arith.constant 0 : i32
    %dma_start3A_172 = tpu.memref_slice %arg6[%dma_start3A_168, %dma_start3A_170, %dma_start3A_171] : memref<8x200x64xf32, #tpu.memory_space<vmem>> -> memref<1x200x64xf32, #tpu.memory_space<vmem>>
    %dma_start3A_173 = tpu.memref_squeeze %dma_start3A_172 : memref<1x200x64xf32, #tpu.memory_space<vmem>> -> memref<200x64xf32, #tpu.memory_space<vmem>>
    %dma_start3A_174 = arith.constant 0 : i32
    %dma_start3A_175 = tpu.memref_slice %arg4[%add3A_167, %dma_start3A_174] : memref<819200x64xf32, #tpu.memory_space<hbm>> -> memref<200x64xf32, #tpu.memory_space<hbm>>
    %dma_start3A_176 = tpu.memref_slice %arg9[%dma_start3A_169] : memref<8x!tpu.dma_semaphore, #tpu.memory_space<semaphore_mem>> -> memref<1x!tpu.dma_semaphore, #tpu.memory_space<semaphore_mem>>
    %dma_start3A_177 = tpu.memref_squeeze %dma_start3A_176 : memref<1x!tpu.dma_semaphore, #tpu.memory_space<semaphore_mem>> -> memref<!tpu.dma_semaphore, #tpu.memory_space<semaphore_mem>>
    %dma_start3A_178 = arith.constant 0 : i32
    %dma_start3A_179 = tpu.memref_slice %arg4[%add3A_167, %dma_start3A_178] : memref<819200x64xf32, #tpu.memory_space<hbm>> -> memref<200x64xf32, #tpu.memory_space<hbm>>
    %dma_start3A_180 = arith.constant 0 : i32
    %dma_start3A_181 = arith.constant 0 : i32
    %dma_start3A_182 = tpu.memref_slice %arg6[%dma_start3A_168, %dma_start3A_180, %dma_start3A_181] : memref<8x200x64xf32, #tpu.memory_space<vmem>> -> memref<1x200x64xf32, #tpu.memory_space<vmem>>
    %dma_start3A_183 = tpu.memref_squeeze %dma_start3A_182 : memref<1x200x64xf32, #tpu.memory_space<vmem>> -> memref<200x64xf32, #tpu.memory_space<vmem>>
    tpu.enqueue_dma source(%dma_start3A_183 : memref<200x64xf32, #tpu.memory_space<vmem>>) target(%dma_start3A_179 : memref<200x64xf32, #tpu.memory_space<hbm>>) target_semaphore(%dma_start3A_177 : memref<!tpu.dma_semaphore, #tpu.memory_space<semaphore_mem>>)
    %dma_wait3A_184 = arith.constant 0 : i32
    %dma_wait3A_185 = arith.constant 0 : i32
    %dma_wait3A_186 = arith.constant 0 : i32
    %dma_wait3A_187 = arith.constant 0 : i32
    %dma_wait3A_188 = tpu.memref_slice %arg6[%dma_wait3A_184, %dma_wait3A_186, %dma_wait3A_187] : memref<8x200x64xf32, #tpu.memory_space<vmem>> -> memref<1x200x64xf32, #tpu.memory_space<vmem>>
    %dma_wait3A_189 = tpu.memref_squeeze %dma_wait3A_188 : memref<1x200x64xf32, #tpu.memory_space<vmem>> -> memref<200x64xf32, #tpu.memory_space<vmem>>
    %dma_wait3A_190 = arith.constant 0 : i32
    %dma_wait3A_191 = arith.constant 0 : i32
    %dma_wait3A_192 = tpu.memref_slice %arg4[%dma_wait3A_190, %dma_wait3A_191] : memref<819200x64xf32, #tpu.memory_space<hbm>> -> memref<200x64xf32, #tpu.memory_space<hbm>>
    %dma_wait3A_193 = tpu.memref_slice %arg9[%dma_wait3A_185] : memref<8x!tpu.dma_semaphore, #tpu.memory_space<semaphore_mem>> -> memref<1x!tpu.dma_semaphore, #tpu.memory_space<semaphore_mem>>
    %dma_wait3A_194 = tpu.memref_squeeze %dma_wait3A_193 : memref<1x!tpu.dma_semaphore, #tpu.memory_space<semaphore_mem>> -> memref<!tpu.dma_semaphore, #tpu.memory_space<semaphore_mem>>
    %dma_wait3A_195 = arith.constant 0 : i32
    %dma_wait3A_196 = arith.constant 0 : i32
    %dma_wait3A_197 = tpu.memref_slice %arg4[%dma_wait3A_195, %dma_wait3A_196] : memref<819200x64xf32, #tpu.memory_space<hbm>> -> memref<200x64xf32, #tpu.memory_space<hbm>>
    %dma_wait3A_198 = arith.constant 0 : i32
    %dma_wait3A_199 = arith.constant 0 : i32
    %dma_wait3A_200 = tpu.memref_slice %arg6[%dma_wait3A_184, %dma_wait3A_198, %dma_wait3A_199] : memref<8x200x64xf32, #tpu.memory_space<vmem>> -> memref<1x200x64xf32, #tpu.memory_space<vmem>>
    %dma_wait3A_201 = tpu.memref_squeeze %dma_wait3A_200 : memref<1x200x64xf32, #tpu.memory_space<vmem>> -> memref<200x64xf32, #tpu.memory_space<vmem>>
    tpu.wait_dma2 semaphore(%dma_wait3A_194 : memref<!tpu.dma_semaphore, #tpu.memory_space<semaphore_mem>>) src(%dma_wait3A_201 : memref<200x64xf32, #tpu.memory_space<vmem>>) dst(%dma_wait3A_197 : memref<200x64xf32, #tpu.memory_space<hbm>>)
    %dma_wait3A_202 = arith.constant 1 : i32
    %dma_wait3A_203 = arith.constant 1 : i32
    %dma_wait3A_204 = arith.constant 0 : i32
    %dma_wait3A_205 = arith.constant 0 : i32
    %dma_wait3A_206 = tpu.memref_slice %arg6[%dma_wait3A_202, %dma_wait3A_204, %dma_wait3A_205] : memref<8x200x64xf32, #tpu.memory_space<vmem>> -> memref<1x200x64xf32, #tpu.memory_space<vmem>>
    %dma_wait3A_207 = tpu.memref_squeeze %dma_wait3A_206 : memref<1x200x64xf32, #tpu.memory_space<vmem>> -> memref<200x64xf32, #tpu.memory_space<vmem>>
    %dma_wait3A_208 = arith.constant 0 : i32
    %dma_wait3A_209 = arith.constant 0 : i32
    %dma_wait3A_210 = tpu.memref_slice %arg4[%dma_wait3A_208, %dma_wait3A_209] : memref<819200x64xf32, #tpu.memory_space<hbm>> -> memref<200x64xf32, #tpu.memory_space<hbm>>
    %dma_wait3A_211 = tpu.memref_slice %arg9[%dma_wait3A_203] : memref<8x!tpu.dma_semaphore, #tpu.memory_space<semaphore_mem>> -> memref<1x!tpu.dma_semaphore, #tpu.memory_space<semaphore_mem>>
    %dma_wait3A_212 = tpu.memref_squeeze %dma_wait3A_211 : memref<1x!tpu.dma_semaphore, #tpu.memory_space<semaphore_mem>> -> memref<!tpu.dma_semaphore, #tpu.memory_space<semaphore_mem>>
    %dma_wait3A_213 = arith.constant 0 : i32
    %dma_wait3A_214 = arith.constant 0 : i32
    %dma_wait3A_215 = tpu.memref_slice %arg4[%dma_wait3A_213, %dma_wait3A_214] : memref<819200x64xf32, #tpu.memory_space<hbm>> -> memref<200x64xf32, #tpu.memory_space<hbm>>
    %dma_wait3A_216 = arith.constant 0 : i32
    %dma_wait3A_217 = arith.constant 0 : i32
    %dma_wait3A_218 = tpu.memref_slice %arg6[%dma_wait3A_202, %dma_wait3A_216, %dma_wait3A_217] : memref<8x200x64xf32, #tpu.memory_space<vmem>> -> memref<1x200x64xf32, #tpu.memory_space<vmem>>
    %dma_wait3A_219 = tpu.memref_squeeze %dma_wait3A_218 : memref<1x200x64xf32, #tpu.memory_space<vmem>> -> memref<200x64xf32, #tpu.memory_space<vmem>>
    tpu.wait_dma2 semaphore(%dma_wait3A_212 : memref<!tpu.dma_semaphore, #tpu.memory_space<semaphore_mem>>) src(%dma_wait3A_219 : memref<200x64xf32, #tpu.memory_space<vmem>>) dst(%dma_wait3A_215 : memref<200x64xf32, #tpu.memory_space<hbm>>)
    %dma_wait3A_220 = arith.constant 2 : i32
    %dma_wait3A_221 = arith.constant 2 : i32
    %dma_wait3A_222 = arith.constant 0 : i32
    %dma_wait3A_223 = arith.constant 0 : i32
    %dma_wait3A_224 = tpu.memref_slice %arg6[%dma_wait3A_220, %dma_wait3A_222, %dma_wait3A_223] : memref<8x200x64xf32, #tpu.memory_space<vmem>> -> memref<1x200x64xf32, #tpu.memory_space<vmem>>
    %dma_wait3A_225 = tpu.memref_squeeze %dma_wait3A_224 : memref<1x200x64xf32, #tpu.memory_space<vmem>> -> memref<200x64xf32, #tpu.memory_space<vmem>>
    %dma_wait3A_226 = arith.constant 0 : i32
    %dma_wait3A_227 = arith.constant 0 : i32
    %dma_wait3A_228 = tpu.memref_slice %arg4[%dma_wait3A_226, %dma_wait3A_227] : memref<819200x64xf32, #tpu.memory_space<hbm>> -> memref<200x64xf32, #tpu.memory_space<hbm>>
    %dma_wait3A_229 = tpu.memref_slice %arg9[%dma_wait3A_221] : memref<8x!tpu.dma_semaphore, #tpu.memory_space<semaphore_mem>> -> memref<1x!tpu.dma_semaphore, #tpu.memory_space<semaphore_mem>>
    %dma_wait3A_230 = tpu.memref_squeeze %dma_wait3A_229 : memref<1x!tpu.dma_semaphore, #tpu.memory_space<semaphore_mem>> -> memref<!tpu.dma_semaphore, #tpu.memory_space<semaphore_mem>>
    %dma_wait3A_231 = arith.constant 0 : i32
    %dma_wait3A_232 = arith.constant 0 : i32
    %dma_wait3A_233 = tpu.memref_slice %arg4[%dma_wait3A_231, %dma_wait3A_232] : memref<819200x64xf32, #tpu.memory_space<hbm>> -> memref<200x64xf32, #tpu.memory_space<hbm>>
    %dma_wait3A_234 = arith.constant 0 : i32
    %dma_wait3A_235 = arith.constant 0 : i32
    %dma_wait3A_236 = tpu.memref_slice %arg6[%dma_wait3A_220, %dma_wait3A_234, %dma_wait3A_235] : memref<8x200x64xf32, #tpu.memory_space<vmem>> -> memref<1x200x64xf32, #tpu.memory_space<vmem>>
    %dma_wait3A_237 = tpu.memref_squeeze %dma_wait3A_236 : memref<1x200x64xf32, #tpu.memory_space<vmem>> -> memref<200x64xf32, #tpu.memory_space<vmem>>
    tpu.wait_dma2 semaphore(%dma_wait3A_230 : memref<!tpu.dma_semaphore, #tpu.memory_space<semaphore_mem>>) src(%dma_wait3A_237 : memref<200x64xf32, #tpu.memory_space<vmem>>) dst(%dma_wait3A_233 : memref<200x64xf32, #tpu.memory_space<hbm>>)
    %dma_wait3A_238 = arith.constant 3 : i32
    %dma_wait3A_239 = arith.constant 3 : i32
    %dma_wait3A_240 = arith.constant 0 : i32
    %dma_wait3A_241 = arith.constant 0 : i32
    %dma_wait3A_242 = tpu.memref_slice %arg6[%dma_wait3A_238, %dma_wait3A_240, %dma_wait3A_241] : memref<8x200x64xf32, #tpu.memory_space<vmem>> -> memref<1x200x64xf32, #tpu.memory_space<vmem>>
    %dma_wait3A_243 = tpu.memref_squeeze %dma_wait3A_242 : memref<1x200x64xf32, #tpu.memory_space<vmem>> -> memref<200x64xf32, #tpu.memory_space<vmem>>
    %dma_wait3A_244 = arith.constant 0 : i32
    %dma_wait3A_245 = arith.constant 0 : i32
    %dma_wait3A_246 = tpu.memref_slice %arg4[%dma_wait3A_244, %dma_wait3A_245] : memref<819200x64xf32, #tpu.memory_space<hbm>> -> memref<200x64xf32, #tpu.memory_space<hbm>>
    %dma_wait3A_247 = tpu.memref_slice %arg9[%dma_wait3A_239] : memref<8x!tpu.dma_semaphore, #tpu.memory_space<semaphore_mem>> -> memref<1x!tpu.dma_semaphore, #tpu.memory_space<semaphore_mem>>
    %dma_wait3A_248 = tpu.memref_squeeze %dma_wait3A_247 : memref<1x!tpu.dma_semaphore, #tpu.memory_space<semaphore_mem>> -> memref<!tpu.dma_semaphore, #tpu.memory_space<semaphore_mem>>
    %dma_wait3A_249 = arith.constant 0 : i32
    %dma_wait3A_250 = arith.constant 0 : i32
    %dma_wait3A_251 = tpu.memref_slice %arg4[%dma_wait3A_249, %dma_wait3A_250] : memref<819200x64xf32, #tpu.memory_space<hbm>> -> memref<200x64xf32, #tpu.memory_space<hbm>>
    %dma_wait3A_252 = arith.constant 0 : i32
    %dma_wait3A_253 = arith.constant 0 : i32
    %dma_wait3A_254 = tpu.memref_slice %arg6[%dma_wait3A_238, %dma_wait3A_252, %dma_wait3A_253] : memref<8x200x64xf32, #tpu.memory_space<vmem>> -> memref<1x200x64xf32, #tpu.memory_space<vmem>>
    %dma_wait3A_255 = tpu.memref_squeeze %dma_wait3A_254 : memref<1x200x64xf32, #tpu.memory_space<vmem>> -> memref<200x64xf32, #tpu.memory_space<vmem>>
    tpu.wait_dma2 semaphore(%dma_wait3A_248 : memref<!tpu.dma_semaphore, #tpu.memory_space<semaphore_mem>>) src(%dma_wait3A_255 : memref<200x64xf32, #tpu.memory_space<vmem>>) dst(%dma_wait3A_251 : memref<200x64xf32, #tpu.memory_space<hbm>>)
    %dma_wait3A_256 = arith.constant 4 : i32
    %dma_wait3A_257 = arith.constant 4 : i32
    %dma_wait3A_258 = arith.constant 0 : i32
    %dma_wait3A_259 = arith.constant 0 : i32
    %dma_wait3A_260 = tpu.memref_slice %arg6[%dma_wait3A_256, %dma_wait3A_258, %dma_wait3A_259] : memref<8x200x64xf32, #tpu.memory_space<vmem>> -> memref<1x200x64xf32, #tpu.memory_space<vmem>>
    %dma_wait3A_261 = tpu.memref_squeeze %dma_wait3A_260 : memref<1x200x64xf32, #tpu.memory_space<vmem>> -> memref<200x64xf32, #tpu.memory_space<vmem>>
    %dma_wait3A_262 = arith.constant 0 : i32
    %dma_wait3A_263 = arith.constant 0 : i32
    %dma_wait3A_264 = tpu.memref_slice %arg4[%dma_wait3A_262, %dma_wait3A_263] : memref<819200x64xf32, #tpu.memory_space<hbm>> -> memref<200x64xf32, #tpu.memory_space<hbm>>
    %dma_wait3A_265 = tpu.memref_slice %arg9[%dma_wait3A_257] : memref<8x!tpu.dma_semaphore, #tpu.memory_space<semaphore_mem>> -> memref<1x!tpu.dma_semaphore, #tpu.memory_space<semaphore_mem>>
    %dma_wait3A_266 = tpu.memref_squeeze %dma_wait3A_265 : memref<1x!tpu.dma_semaphore, #tpu.memory_space<semaphore_mem>> -> memref<!tpu.dma_semaphore, #tpu.memory_space<semaphore_mem>>
    %dma_wait3A_267 = arith.constant 0 : i32
    %dma_wait3A_268 = arith.constant 0 : i32
    %dma_wait3A_269 = tpu.memref_slice %arg4[%dma_wait3A_267, %dma_wait3A_268] : memref<819200x64xf32, #tpu.memory_space<hbm>> -> memref<200x64xf32, #tpu.memory_space<hbm>>
    %dma_wait3A_270 = arith.constant 0 : i32
    %dma_wait3A_271 = arith.constant 0 : i32
    %dma_wait3A_272 = tpu.memref_slice %arg6[%dma_wait3A_256, %dma_wait3A_270, %dma_wait3A_271] : memref<8x200x64xf32, #tpu.memory_space<vmem>> -> memref<1x200x64xf32, #tpu.memory_space<vmem>>
    %dma_wait3A_273 = tpu.memref_squeeze %dma_wait3A_272 : memref<1x200x64xf32, #tpu.memory_space<vmem>> -> memref<200x64xf32, #tpu.memory_space<vmem>>
    tpu.wait_dma2 semaphore(%dma_wait3A_266 : memref<!tpu.dma_semaphore, #tpu.memory_space<semaphore_mem>>) src(%dma_wait3A_273 : memref<200x64xf32, #tpu.memory_space<vmem>>) dst(%dma_wait3A_269 : memref<200x64xf32, #tpu.memory_space<hbm>>)
    %dma_wait3A_274 = arith.constant 5 : i32
    %dma_wait3A_275 = arith.constant 5 : i32
    %dma_wait3A_276 = arith.constant 0 : i32
    %dma_wait3A_277 = arith.constant 0 : i32
    %dma_wait3A_278 = tpu.memref_slice %arg6[%dma_wait3A_274, %dma_wait3A_276, %dma_wait3A_277] : memref<8x200x64xf32, #tpu.memory_space<vmem>> -> memref<1x200x64xf32, #tpu.memory_space<vmem>>
    %dma_wait3A_279 = tpu.memref_squeeze %dma_wait3A_278 : memref<1x200x64xf32, #tpu.memory_space<vmem>> -> memref<200x64xf32, #tpu.memory_space<vmem>>
    %dma_wait3A_280 = arith.constant 0 : i32
    %dma_wait3A_281 = arith.constant 0 : i32
    %dma_wait3A_282 = tpu.memref_slice %arg4[%dma_wait3A_280, %dma_wait3A_281] : memref<819200x64xf32, #tpu.memory_space<hbm>> -> memref<200x64xf32, #tpu.memory_space<hbm>>
    %dma_wait3A_283 = tpu.memref_slice %arg9[%dma_wait3A_275] : memref<8x!tpu.dma_semaphore, #tpu.memory_space<semaphore_mem>> -> memref<1x!tpu.dma_semaphore, #tpu.memory_space<semaphore_mem>>
    %dma_wait3A_284 = tpu.memref_squeeze %dma_wait3A_283 : memref<1x!tpu.dma_semaphore, #tpu.memory_space<semaphore_mem>> -> memref<!tpu.dma_semaphore, #tpu.memory_space<semaphore_mem>>
    %dma_wait3A_285 = arith.constant 0 : i32
    %dma_wait3A_286 = arith.constant 0 : i32
    %dma_wait3A_287 = tpu.memref_slice %arg4[%dma_wait3A_285, %dma_wait3A_286] : memref<819200x64xf32, #tpu.memory_space<hbm>> -> memref<200x64xf32, #tpu.memory_space<hbm>>
    %dma_wait3A_288 = arith.constant 0 : i32
    %dma_wait3A_289 = arith.constant 0 : i32
    %dma_wait3A_290 = tpu.memref_slice %arg6[%dma_wait3A_274, %dma_wait3A_288, %dma_wait3A_289] : memref<8x200x64xf32, #tpu.memory_space<vmem>> -> memref<1x200x64xf32, #tpu.memory_space<vmem>>
    %dma_wait3A_291 = tpu.memref_squeeze %dma_wait3A_290 : memref<1x200x64xf32, #tpu.memory_space<vmem>> -> memref<200x64xf32, #tpu.memory_space<vmem>>
    tpu.wait_dma2 semaphore(%dma_wait3A_284 : memref<!tpu.dma_semaphore, #tpu.memory_space<semaphore_mem>>) src(%dma_wait3A_291 : memref<200x64xf32, #tpu.memory_space<vmem>>) dst(%dma_wait3A_287 : memref<200x64xf32, #tpu.memory_space<hbm>>)
    %dma_wait3A_292 = arith.constant 6 : i32
    %dma_wait3A_293 = arith.constant 6 : i32
    %dma_wait3A_294 = arith.constant 0 : i32
    %dma_wait3A_295 = arith.constant 0 : i32
    %dma_wait3A_296 = tpu.memref_slice %arg6[%dma_wait3A_292, %dma_wait3A_294, %dma_wait3A_295] : memref<8x200x64xf32, #tpu.memory_space<vmem>> -> memref<1x200x64xf32, #tpu.memory_space<vmem>>
    %dma_wait3A_297 = tpu.memref_squeeze %dma_wait3A_296 : memref<1x200x64xf32, #tpu.memory_space<vmem>> -> memref<200x64xf32, #tpu.memory_space<vmem>>
    %dma_wait3A_298 = arith.constant 0 : i32
    %dma_wait3A_299 = arith.constant 0 : i32
    %dma_wait3A_300 = tpu.memref_slice %arg4[%dma_wait3A_298, %dma_wait3A_299] : memref<819200x64xf32, #tpu.memory_space<hbm>> -> memref<200x64xf32, #tpu.memory_space<hbm>>
    %dma_wait3A_301 = tpu.memref_slice %arg9[%dma_wait3A_293] : memref<8x!tpu.dma_semaphore, #tpu.memory_space<semaphore_mem>> -> memref<1x!tpu.dma_semaphore, #tpu.memory_space<semaphore_mem>>
    %dma_wait3A_302 = tpu.memref_squeeze %dma_wait3A_301 : memref<1x!tpu.dma_semaphore, #tpu.memory_space<semaphore_mem>> -> memref<!tpu.dma_semaphore, #tpu.memory_space<semaphore_mem>>
    %dma_wait3A_303 = arith.constant 0 : i32
    %dma_wait3A_304 = arith.constant 0 : i32
    %dma_wait3A_305 = tpu.memref_slice %arg4[%dma_wait3A_303, %dma_wait3A_304] : memref<819200x64xf32, #tpu.memory_space<hbm>> -> memref<200x64xf32, #tpu.memory_space<hbm>>
    %dma_wait3A_306 = arith.constant 0 : i32
    %dma_wait3A_307 = arith.constant 0 : i32
    %dma_wait3A_308 = tpu.memref_slice %arg6[%dma_wait3A_292, %dma_wait3A_306, %dma_wait3A_307] : memref<8x200x64xf32, #tpu.memory_space<vmem>> -> memref<1x200x64xf32, #tpu.memory_space<vmem>>
    %dma_wait3A_309 = tpu.memref_squeeze %dma_wait3A_308 : memref<1x200x64xf32, #tpu.memory_space<vmem>> -> memref<200x64xf32, #tpu.memory_space<vmem>>
    tpu.wait_dma2 semaphore(%dma_wait3A_302 : memref<!tpu.dma_semaphore, #tpu.memory_space<semaphore_mem>>) src(%dma_wait3A_309 : memref<200x64xf32, #tpu.memory_space<vmem>>) dst(%dma_wait3A_305 : memref<200x64xf32, #tpu.memory_space<hbm>>)
    %dma_wait3A_310 = arith.constant 7 : i32
    %dma_wait3A_311 = arith.constant 7 : i32
    %dma_wait3A_312 = arith.constant 0 : i32
    %dma_wait3A_313 = arith.constant 0 : i32
    %dma_wait3A_314 = tpu.memref_slice %arg6[%dma_wait3A_310, %dma_wait3A_312, %dma_wait3A_313] : memref<8x200x64xf32, #tpu.memory_space<vmem>> -> memref<1x200x64xf32, #tpu.memory_space<vmem>>
    %dma_wait3A_315 = tpu.memref_squeeze %dma_wait3A_314 : memref<1x200x64xf32, #tpu.memory_space<vmem>> -> memref<200x64xf32, #tpu.memory_space<vmem>>
    %dma_wait3A_316 = arith.constant 0 : i32
    %dma_wait3A_317 = arith.constant 0 : i32
    %dma_wait3A_318 = tpu.memref_slice %arg4[%dma_wait3A_316, %dma_wait3A_317] : memref<819200x64xf32, #tpu.memory_space<hbm>> -> memref<200x64xf32, #tpu.memory_space<hbm>>
    %dma_wait3A_319 = tpu.memref_slice %arg9[%dma_wait3A_311] : memref<8x!tpu.dma_semaphore, #tpu.memory_space<semaphore_mem>> -> memref<1x!tpu.dma_semaphore, #tpu.memory_space<semaphore_mem>>
    %dma_wait3A_320 = tpu.memref_squeeze %dma_wait3A_319 : memref<1x!tpu.dma_semaphore, #tpu.memory_space<semaphore_mem>> -> memref<!tpu.dma_semaphore, #tpu.memory_space<semaphore_mem>>
    %dma_wait3A_321 = arith.constant 0 : i32
    %dma_wait3A_322 = arith.constant 0 : i32
    %dma_wait3A_323 = tpu.memref_slice %arg4[%dma_wait3A_321, %dma_wait3A_322] : memref<819200x64xf32, #tpu.memory_space<hbm>> -> memref<200x64xf32, #tpu.memory_space<hbm>>
    %dma_wait3A_324 = arith.constant 0 : i32
    %dma_wait3A_325 = arith.constant 0 : i32
    %dma_wait3A_326 = tpu.memref_slice %arg6[%dma_wait3A_310, %dma_wait3A_324, %dma_wait3A_325] : memref<8x200x64xf32, #tpu.memory_space<vmem>> -> memref<1x200x64xf32, #tpu.memory_space<vmem>>
    %dma_wait3A_327 = tpu.memref_squeeze %dma_wait3A_326 : memref<1x200x64xf32, #tpu.memory_space<vmem>> -> memref<200x64xf32, #tpu.memory_space<vmem>>
    tpu.wait_dma2 semaphore(%dma_wait3A_320 : memref<!tpu.dma_semaphore, #tpu.memory_space<semaphore_mem>>) src(%dma_wait3A_327 : memref<200x64xf32, #tpu.memory_space<vmem>>) dst(%dma_wait3A_323 : memref<200x64xf32, #tpu.memory_space<hbm>>)
    return
  }
}

</mosaic_0001>

<sc_bundles>
// kernel: kernel.3.cloned.1.call-start
scs
__scs_entry_jumppad:
0x0: {  	(pc) =	sbr.rel $0x88, $3  }
0x1: {  	(tag) =	ssettag $0x0;
	lr =	simm.s32 $0x1  }
0x2: {  	[smem:$0x3F9F] =	sst lr;
	_ =	strace $0xD0000000  }
0x3: {  	_ = 	snop  }
0x4: {  	_ = 	snop  }
0x5: {  	_ = 	snop  }
0x6: {  	_ = 	snop  }
0x7: {  	_ = 	snop  }
__scs_overlays_trampoline_lowered:
0x8: {  	[smem:$0x3FAE] =	sst s0  }
0x9: {  	[smem:$0x3FAF] =	sst s1  }
0xa: {  	[smem:$0x3FB0] =	sst s2  }
0xb: {  	[smem:$0x3FB1] =	sst s3  }
0xc: {  	[smem:$0x3FB2] =	sst s4  }
0xd: {  	[smem:$0x3FB3] =	sst s5  }
0xe: {  	[smem:$0x3FB4] =	sst s6  }
0xf: {  	[smem:$0x3FB5] =	sst s7  }
0x10: {  	[smem:$0x3FB6] =	sst s8  }
0x11: {  	[smem:$0x3FB7] =	sst s9;
	s0 =	simm.s32 @!p0 $0x0  }
0x12: {  	s1 =	sld [smem:$0x3F9D];
	s0 =	simm.s32 @p0 $0x1  }
0x13: {  	[smem:$0x3FB8] =	sst s0;
	s0 =	simm.s32 @!p1 $0x0  }
0x14: {  	s2 =	sld [smem:$0x3F9C];
	s0 =	simm.s32 @p1 $0x1  }
0x15: {  	[smem:$0x3FB9] =	sst s0;
	s0 =	simm.s32 @!p2 $0x0  }
0x16: {  	s3 =	sld [smem:$0x3FDB];
	s0 =	simm.s32 @p2 $0x1  }
0x17: {  	s4 =	simm.s32 $0x1BF5;
	[smem:$0x3FBB] =	sst s0  }
0x18: {  	s0 =	sld [smem:$0x3F9E];
	_ =	swait.ge [sflag:s4], $0x0  }
0x19: {  	s7 =	sld [smem:$0x3F9F]  }
0x1a: {  	s8 =	sadd.s32 $0xFFFFE003, lr  }
0x1b: {  	s9 =	sadd.s32 $0xFFFFFEF7, lr;
	s5 =	simm.s32 $0xFFFFFFFF;
	p2 =	slt.u32 s8, $0xFFFFF086  }
0x1c: {  	p1 =	slt.u32 s9, $0xF7A;
	s5 =	simm.s32 @!p2 $0x0  }
0x1d: {  	s5 =	simm.s32 @p1 $0x1;
	p0 =	seq.s32 s7, s2  }
0x1e: {  	s7 =	smul.u32 @!p0 $0xF7A, s2;
	p2 =	seq.s32 @!p0 s5, $0x0  }
0x1f: {  	s9 =	smul.u32 $0xF7A, s1;
	s8 =	simm.s32 @!p0 $0x1BF5;
	p2 =	por !p2, p0  }
0x20: {  	[sflag:s8] =	ssyncset.s32 @!p0 $0xFFFFF086;
	s6 =	sadd.s32 @!p0 s3, s7;
	s7 =	simm.s32 @!p0 $0x108  }
0x21: {  	s3 =	sadd.s32 s3, s9;
	s6 =	sadd.s32 @!p0 $0x88, s6;
	s7 =	simm.s32 @p2 $0x1082  }
0x22: {  	[simem:s7], [sflag:s8] =	dma.local @!p0 [hbm:s6], $0xF7A  }
0x23: {  	s9 =	sor.u32 $0xD0000000, s2;
	s6 =	simm.s32 $0x108;
	_ =	swait.ge @!p0 [sflag:s8], $0x0  }
0x24: {  	s3 =	sadd.s32 $0x88, s3;
	s6 =	simm.s32 @!p1 $0x1082;
	[sflag:s4] =	ssyncset.s32 $0xFFFFF086  }
0x25: {  	[simem:s6], [sflag:s4] =	dma.local [hbm:s3], $0xF7A  }
0x26: {  	[smem:$0x3F9F] =	sst s1;
	(tag) =	ssettag s2;
	_ =	strace s9  }
0x27: {  	s1 =	sld [smem:$0x3FAF]  }
0x28: {  	s2 =	sld [smem:$0x3FB0]  }
0x29: {  	s4 =	sld [smem:$0x3FB2]  }
0x2a: {  	p0 =	seq.s32 s5, $0x0;
	s5 =	sld [smem:$0x3FB3]  }
0x2b: {  	s6 =	sld [smem:$0x3FB4]  }
0x2c: {  	s7 =	sld [smem:$0x3FB5]  }
0x2d: {  	s3 =	simm.s32 $0x108;
	s8 =	sld [smem:$0x3FB6]  }
0x2e: {  	s3 =	simm.s32 @!p0 $0x1082;
	s9 =	sld [smem:$0x3FB7]  }
0x2f: {  	lr =	sadd.s32 s0, s3;
	s0 =	sld [smem:$0x3FAE]  }
0x30: {  	s3 =	sld [smem:$0x3FB1]  }
0x31: {  	[smem:$0x3FBA] =	sst s10  }
0x32: {  	s10 =	sld [smem:$0x3FB8];
	_ =	sdelay $0x3  }
0x33: {  	p0 =	seq.s32 s10, $0x1;
	s10 =	sld [smem:$0x3FBA];
	_ =	sdelay $0x3  }
0x34: {  	[smem:$0x3FBA] =	sst s10  }
0x35: {  	s10 =	sld [smem:$0x3FB9];
	_ =	sdelay $0x3  }
0x36: {  	p1 =	seq.s32 s10, $0x1;
	s10 =	sld [smem:$0x3FBA];
	_ =	sdelay $0x3  }
0x37: {  	[smem:$0x3FBA] =	sst s10  }
0x38: {  	s10 =	sld [smem:$0x3FBB]  }
0x39: {  	_ = 	snop;
	(pc) =	sbr.ind lr, $3  }
0x3a: {  	_ = 	snop  }
0x3b: {  	_ = 	snop  }
0x3c: {  	p2 =	seq.s32 s10, $0x1;
	s10 =	sld [smem:$0x3FBA]  }
0x3d: {  	_ =	shalt  }
0x3e: {  	_ =	shalt  }
0x3f: {  	_ =	shalt  }
0x40: {  	_ =	shalt  }
0x41: {  	_ =	shalt  }
0x42: {  	_ =	shalt  }
0x43: {  	_ =	shalt  }
0x44: {  	_ =	shalt  }
0x45: {  	_ =	shalt  }
0x46: {  	_ =	shalt  }
0x47: {  	_ =	shalt  }
0x48: {  	_ =	shalt  }
0x49: {  	_ =	shalt  }
0x4a: {  	_ =	shalt  }
0x4b: {  	_ =	shalt  }
0x4c: {  	_ =	shalt  }
0x4d: {  	_ =	shalt  }
0x4e: {  	_ =	shalt  }
0x4f: {  	_ =	shalt  }
0x50: {  	_ =	shalt  }
0x51: {  	_ =	shalt  }
0x52: {  	_ =	shalt  }
0x53: {  	_ =	shalt  }
0x54: {  	_ =	shalt  }
0x55: {  	_ =	shalt  }
0x56: {  	_ =	shalt  }
0x57: {  	_ =	shalt  }
0x58: {  	_ =	shalt  }
0x59: {  	_ =	shalt  }
0x5a: {  	_ =	shalt  }
0x5b: {  	_ =	shalt  }
0x5c: {  	_ =	shalt  }
0x5d: {  	_ =	shalt  }
0x5e: {  	_ =	shalt  }
0x5f: {  	_ =	shalt  }
0x60: {  	_ =	shalt  }
0x61: {  	_ =	shalt  }
0x62: {  	_ =	shalt  }
0x63: {  	_ =	shalt  }
0x64: {  	_ =	shalt  }
0x65: {  	_ =	shalt  }
0x66: {  	_ =	shalt  }
0x67: {  	_ =	shalt  }
0x68: {  	_ =	shalt  }
0x69: {  	_ =	shalt  }
0x6a: {  	_ =	shalt  }
0x6b: {  	_ =	shalt  }
0x6c: {  	_ =	shalt  }
0x6d: {  	_ =	shalt  }
0x6e: {  	_ =	shalt  }
0x6f: {  	_ =	shalt  }
0x70: {  	_ =	shalt  }
0x71: {  	_ =	shalt  }
0x72: {  	_ =	shalt  }
0x73: {  	_ =	shalt  }
0x74: {  	_ =	shalt  }
0x75: {  	_ =	shalt  }
0x76: {  	_ =	shalt  }
0x77: {  	_ =	shalt  }
0x78: {  	_ =	shalt  }
0x79: {  	_ =	shalt  }
0x7a: {  	_ =	shalt  }
0x7b: {  	_ =	shalt  }
0x7c: {  	_ =	shalt  }
0x7d: {  	_ =	shalt  }
0x7e: {  	_ =	shalt  }
0x7f: {  	_ =	shalt  }
0x80: {  	_ =	shalt  }
0x81: {  	_ =	shalt  }
0x82: {  	_ =	shalt  }
0x83: {  	_ =	shalt  }
0x84: {  	_ =	shalt  }
0x85: {  	_ =	shalt  }
0x86: {  	_ =	shalt  }
0x87: {  	_ =	shalt  }
.Lfunc_end0:
.L_simem_size_0:
called_computation.1_lowered:
.L_overlay_start_0:
0x88: {  	s2 =	sld [smem:$0x3FD9]  }
0x89: {  	s3 =	sld [smem:$0x3FFE];
	_ =	sdelay $0x1  }
0x8a: {  	s1 =	srdreg.scid  }
0x8b: {  	s0 =	sand.u32 $0x1, s1  }
0x8c: {  	s17 =	sshll.u32 s0, $0xA;
	s2 =	sadd.s32 s3, s2  }
0x8d: {  	s2 =	sadd.s32 s2, s17  }
0x8e: {  	[smem:$0x3FC6] =	sst s2  }
0x8f: {  	_ = 	snop  }
0x90: {  	s2 =	sld [smem:$0x3FD0];
	(tm) =	ssettm $0x1  }
0x91: {  	s18 =	sld [smem:$0x3FFB];
	_ =	sdelay $0x3  }
0x92: {  	_ =	strace s18  }
0x93: {  	s3 =	sld [smem:$0x3FFC];
	_ =	sdelay $0x3  }
0x94: {  	_ =	strace s3  }
0x95: {  	s3 =	sld [smem:$0x3FFD];
	_ =	sdelay $0x3  }
0x96: {  	_ =	strace s3  }
0x97: {  	_ =	strace $0x8FFFFFFF  }
0x98: {  	s19 =	sld [smem:$0x3FDB];
	_ =	sdelay $0x1  }
0x99: {  	s4 =	simm.s32 $_scs_section_size  }
0x9a: {  	s5 =	simm.s32 $_size__tile_overlayer_lowered;
	s6 =	simm.s32 $_tile_overlayer_lowered  }
0x9b: {  	s22 =	simm.s32 $0x1BFF;
	s21 =	sshll.u32 s6, $0x1;
	s3 =	sadd.s32 s4, s19  }
0x9c: {  	s7 =	simm.s32 $0x0;
	s20 =	sshll.u32 s5, $0x1;
	s5 =	sadd.s32 s21, s3  }
0x9d: {  	[timem:s7], [sflag:s22] =	dma.local [hbm:s5], s20  }
0x9e: {  	_ =	swait.ge [sflag:s22], s20  }
0x9f: {  	s4 =	ssub.s32 $0x0, s20;
	[sflag:s22] =	ssyncset.done $0x0  }
0xa0: {  	[sflag:s22] =	ssyncadd.s32 s4;
	_ =	sdelay $0x1  }
0xa1: {  	s23 =	simm.s32 $0x1B8B  }
0xa2: {  	_ =	swait.ge [sflag:s23], $0x1  }
0xa3: {  	[sflag:s23] =	ssyncset.done $0x0  }
0xa4: {  	s25 =	simm.s32 $0x1B8E;
	s24 =	sld [smem:$0x3FFE];
	[sflag:s23] =	ssyncadd.s32 $0xFFFFFFFF  }
0xa5: {  	s26 =	simm.s32 $execute0_lowered;
	[smem:$0x3FD2] =	sst s25  }
0xa6: {  	s5 =	sshll.u32 s26, $0x1;
	_ =	strace $0x80000046;
	[dreg:$0x1] =	wrdreg $0xFFFFFFFF  }
0xa7: {  	s28 =	simm.s32 $_size_execute0_lowered;
	s3 =	sadd.s32 s3, s5;
	[dreg:$0x0] =	wrdreg $0x0  }
0xa8: {  	s5 =	sshll.u32 s28, $0x1;
	[dreg:$0x2] =	wrdreg s3  }
0xa9: {  	[dreg:$0x3] =	wrdreg s5  }
0xaa: {  	[dreg:$0x4] =	wrdreg $0xC0  }
0xab: {  	_ =	task [dreg:s7], $0x5FFFF  }
0xac: {  	[dreg:$0x1] =	wrdreg $0xFFFFFFFF  }
0xad: {  	[dreg:$0x0] =	wrdreg $0x60  }
0xae: {  	[dreg:$0x2] =	wrdreg s24  }
0xaf: {  	[dreg:$0x3] =	wrdreg s2  }
0xb0: {  	[dreg:$0x4] =	wrdreg $0x9  }
0xb1: {  	_ =	task.clear_ibuf [dreg:s7], $0x5FFFF;
	_ =	strace $0x90000046  }
0xb2: {  	s29 =	simm.s32 $0x9;
	_ =	strace $0x80000048  }
0xb3: {  	_ =	swait.ge [sflag:s29], $0x1  }
0xb4: {  	[sflag:s29] =	ssyncadd.s32 $0xFFFFFFFF  }
0xb5: {  	_ =	strace $0x90000048  }
0xb6: {  	_ =	sfence  }
0xb7: {  	s30 =	sld [smem:$0x0];
	_ =	sdelay $0x2  }
0xb8: {  	s31 =	sshll.u32 s1, $0xD;
	s1 =	sshrl.u32 s1, $0x2  }
0xb9: {  	s3 =	sand.u32 $0x4000, s31;
	s1 =	sadd.s32 s1, s30  }
0xba: {  	s0 =	sor.u32 s3, s0;
	s1 =	sshll.u32 s1, $0x11  }
0xbb: {  	s0 =	sor.u32 s1, s0  }
0xbc: {  	s0 =	sadd.s32 $0x8F2B, s0  }
0xbd: {  	[sflag:s0] =	ssyncadd.remote.s32 $0x1  }
0xbe: {  	_ =	sfence.sel $0xFFFF  }
0xbf: {  	[dreg:$0x0] =	wrdreg $0xFFFFFFFF;
	(pc) =	sbr.abs _section_cstart, $3  }
0xc0: {  	[dreg:$0x1] =	wrdreg $0xFFFFFFFF  }
0xc1: {  	_ =	task.clear_ibuf [dreg:s7], $0x2FFFF;
	_ =	strace $0x9FFFFFFF  }
0xc2: {  	(tm) =	ssettm $0x7FFFFFFF  }
0xc3: {  	_ =	shalt  }
tec
execute0_lowered:
.L_overlay_start_1:
0x0: {  	(tag) =	ssettag $0x1  }
0x1: {  	s1 =	srdreg.scid;
	s12 =	stileid.u32  }
0x2: {  	s0 =	rddreg [dreg:$0x0];
	s1 =	sand.u32 $0x1, s1;
	s4 =	sshll.u32 s12, $0x1  }
0x3: {  	s2 =	rddreg [dreg:$0x1];
	s7 =	sor.u32 s1, s4  }
0x4: {  	s3 =	simm.s32 $0x0;
	s30 =	simm.s32 $0x320;
	s13 =	smul.u32 $0x6400, s7  }
0x5: {  	s28 =	simm.s32 $0x3E8;
	s29 =	simm.s32 $0x2;
	[smem:$0x7FF] =	sst s3  }
0x6: {  	s5 =	sadd.s32 $0xA00, s0;
	s6 =	sadd.s32 $0xF42E00, s0;
	s21 =	sadd.s32 $0x708, s13  }
0x7: {  	_ =	strace $0x80000047;
	s22 =	sor.u32 $0xC8, s13;
	[dreg:$0x3] =	wrdreg s21  }
0x8: {  	s17 =	smul.u32 $0xC800, s12;
	s24 =	sadd.s32 $0x7D0, s13;
	[dreg:$0x4] =	wrdreg s22  }
0x9: {  	s8 =	ssub.s32 $0x2, s1;
	s26 =	sor.u32 $0x190, s13;
	[dreg:$0x5] =	wrdreg s24  }
0xa: {  	s18 =	sshrl.u32 s8, $0x1;
	s10 =	sor.u32 $0x258, s13;
	[dreg:$0x6] =	wrdreg s26  }
0xb: {  	s7 =	smul.u32 $0x190000, s7;
	s14 =	sadd.s32 $0x960, s13;
	[dreg:$0x8] =	wrdreg s10  }
0xc: {  	s0 =	ssub.s32 s8, s18;
	s15 =	sor.u32 $0x320, s13;
	[dreg:$0x9] =	wrdreg s14  }
0xd: {  	s8 =	simm.s32 $0x3;
	s16 =	sadd.s32 $0xA28, s13;
	[dreg:$0xa] =	wrdreg s15  }
0xe: {  	s9 =	sshrl.u32 s13, $0x3;
	s0 =	smax.u32 s0, $0x1;
	[dreg:$0xb] =	wrdreg s16  }
0xf: {  	s11 =	sadd.s32 $0x578, s13;
	s19 =	sadd.s32 s5, s9;
	[dreg:$0x19] =	wrdreg s0  }
0x10: {  	s7 =	sshrl.u32 s7, $0x3;
	s10 =	sor.u32 $0x3E8, s13;
	[dreg:$0xf] =	wrdreg s19  }
0x11: {  	s7 =	sadd.s32 s2, s7;
	s20 =	sadd.s32 $0x19, s19;
	[dreg:$0xc] =	wrdreg s10  }
0x12: {  	s22 =	smul.u32 $0x64000, s12;
	s9 =	sadd.s32 $0x32, s19;
	[dreg:$0x10] =	wrdreg s20  }
0x13: {  	s16 =	simm.s32 $0x190;
	s23 =	sadd.s32 $0x4B, s19;
	[dreg:$0x11] =	wrdreg s9  }
0x14: {  	s12 =	simm.s32 $0xB;
	s25 =	sadd.s32 $0x64, s19;
	[dreg:$0x12] =	wrdreg s23  }
0x15: {  	s14 =	simm.s32 $0x5;
	s31 =	sadd.s32 $0x7D, s19;
	[dreg:$0x13] =	wrdreg s25  }
0x16: {  	s15 =	simm.s32 $0xC;
	s4 =	sadd.s32 $0x96, s19;
	[dreg:$0x14] =	wrdreg s31  }
0x17: {  	s19 =	sadd.s32 $0x31380, s7;
	s9 =	sadd.s32 $0x898, s13;
	[dreg:$0x15] =	wrdreg s4  }
0x18: {  	[dreg:$0x17] =	wrdreg s19;
	s20 =	sadd.s32 $0x319C0, s7;
	s31 =	simm.s32 $0x640  }
0x19: {  	[dreg:$0x7] =	wrdreg s9;
	s9 =	sshrl.u32 s11, $0x3;
	s11 =	smul.u32 $0x6400, s1  }
0x1a: {  	s4 =	simm.s32 $0x4B0;
	[dreg:$0x18] =	wrdreg s20;
	s1 =	smul.u32 $0x32000, s1  }
0x1b: {  	[dreg:$0xe] =	wrdreg s31;
	s20 =	simm.s32 $0x7;
	s18 =	sadd.s32 s5, s9  }
0x1c: {  	s9 =	simm.s32 $0xA;
	[dreg:$0x16] =	wrdreg s18;
	s21 =	sadd.s32 s11, s17  }
0x1d: {  	s1 =	sadd.s32 s1, s22;
	s22 =	simm.s32 $0x258;
	s11 =	simm.s32 $0x4  }
0x1e: {  	s17 =	simm.s32 $0x6;
	s23 =	sadd.s32 $0x640, s21;
	s24 =	sadd.s32 $0x578, s21  }
0x1f: {  	s7 =	sadd.s32 $0x4B0, s21;
	[dreg:$0x1a] =	wrdreg s1;
	s0 =	sshrl.u32 s24, $0x3  }
0x20: {  	[dreg:$0xd] =	wrdreg s23;
	s25 =	sshrl.u32 s7, $0x3;
	s0 =	sadd.s32 s0, s5  }
0x21: {  	s21 =	simm.s32 $0xC8;
	s26 =	sadd.s32 s25, s5;
	[dreg:$0x1b] =	wrdreg s0  }
0x22: {  	s1 =	simm.s32 $0x9;
	s7 =	simm.s32 $0x0;
	[dreg:$0x1c] =	wrdreg s26  }
.LBB2_1:
0x23: {  	[dreg:$0x1d] =	wrdreg s7  }
0x24: {  	s0 =	rddreg [dreg:$0xf]  }
0x25: {  	[tilespmem:s3], [sflag:$0x1] =	stream.linear.gather [hbm4b:s0+s3], $0xC8, $0x38;
	[tilespmem:$0x19640] =	vst v63  }
0x26: {  	s7 =	rddreg [dreg:$0x10]  }
0x27: {  	[tilespmem:s21], [sflag:$0x2] =	stream.linear.gather [hbm4b:s7+s3], $0xC8, $0x38;
	[tilespmem:$0x19640] =	vst v63  }
0x28: {  	s10 =	rddreg [dreg:$0x11]  }
0x29: {  	[tilespmem:s16], [sflag:$0x3] =	stream.linear.gather [hbm4b:s10+s3], $0xC8, $0x38;
	[tilespmem:$0x19640] =	vst v63  }
0x2a: {  	s18 =	rddreg [dreg:$0x12]  }
0x2b: {  	[tilespmem:s22], [sflag:$0x4] =	stream.linear.gather [hbm4b:s18+s3], $0xC8, $0x38;
	[tilespmem:$0x19640] =	vst v63  }
0x2c: {  	s19 =	rddreg [dreg:$0x13]  }
0x2d: {  	[tilespmem:s30], [sflag:$0x5] =	stream.linear.gather [hbm4b:s19+s3], $0xC8, $0x38;
	[tilespmem:$0x19640] =	vst v63  }
0x2e: {  	s23 =	rddreg [dreg:$0x14]  }
0x2f: {  	[tilespmem:s28], [sflag:$0x6] =	stream.linear.gather [hbm4b:s23+s3], $0xC8, $0x38;
	[tilespmem:$0x19640] =	vst v63  }
0x30: {  	s24 =	rddreg [dreg:$0x15];
	p0 =	por $0x1, $0x1  }
0x31: {  	[tilespmem:s4], [sflag:$0x7] =	stream.linear.gather [hbm4b:s24+s3], $0xC8, $0x38;
	[tilespmem:$0x19640] =	vst v63  }
0x32: {  	s25 =	rddreg [dreg:$0x16];
	s26 =	simm.s32 $0x578;
	s19 =	simm.s32 @p0 $0x1  }
0x33: {  	[tilespmem:s26], [sflag:$0x8] =	stream.linear.gather [hbm4b:s25+s3], $0xC8, $0x38;
	[tilespmem:$0x19640] =	vst v63  }
0x34: {  	s23 =	simm.s32 @p0 $0x0;
	_ =	swait.ge @p0 [sflag:s19], $0xC8  }
0x35: {  	s24 =	simm.s32 @!p0 $0xF;
	s25 =	simm.s32 @p0 $0xC8;
	[sflag:s19] =	ssyncset.done @p0 $0x0  }
0x36: {  	s26 =	simm.s32 @p0 $0x640;
	s0 =	rddreg [dreg:$0x1a];
	[sflag:s19] =	ssyncadd.s32 @p0 $0xFFFFFF38  }
0x37: {  	[tilespmem:s26], [sflag:$0x9] =	stream.indirect.gather @p0 [hbm4b:s6+s25], $0x40, s23, s25, $0xb8;
	[tilespmem:$0x19640] =	vst v63  }
0x38: {  	s19 =	sadd.s32 @!p0 $0x1FFFF380, s0;
	_ =	swait.ge @!p0 [sflag:s24], $0x3200  }
0x39: {  	s19 =	sand.u32 @!p0 $0x1FFFFF80, s19;
	s23 =	simm.s32 @!p0 $0x0;
	[sflag:s24] =	ssyncset.done @!p0 $0x0  }
0x3a: {  	s25 =	simm.s32 @!p0 $0x4B0;
	s10 =	rddreg [dreg:$0x1c];
	[sflag:s24] =	ssyncadd.s32 @!p0 $0xFFFFCE00  }
0x3b: {  	[tilespmem:s25], [sflag:$0x7] =	stream.linear.gather @!p0 [hbm4b:s10+s23], $0xC8, $0x38;
	[tilespmem:$0x19640] =	vst v63  }
0x3c: {  	s19 =	sadd.s32 @!p0 s2, s19;
	s24 =	simm.s32 @!p0 $0x13240;
	s25 =	simm.s32 @!p0 $0x11  }
0x3d: {  	[hbm4b:s19+s23] =	stream.linear.scatter @!p0 [tilespmem:s24], [sflag:$0x17], $0x3200, $0x38;
	[tilespmem:$0x19640] =	vst v63  }
0x3e: {  	_ =	swait.ge @!p0 [sflag:s25], $0x3200  }
0x3f: {  	[sflag:s25] =	ssyncset.done @!p0 $0x0  }
0x40: {  	s19 =	simm.s32 @!p0 $0x1;
	[sflag:s25] =	ssyncadd.s32 @!p0 $0xFFFFCE00  }
0x41: {  	_ =	swait.ge @!p0 [sflag:s19], $0xC8  }
0x42: {  	s26 =	simm.s32 @!p0 $0x640;
	[sflag:s19] =	ssyncset.done @!p0 $0x0  }
0x43: {  	s24 =	simm.s32 @!p0 $0x10;
	s25 =	simm.s32 @!p0 $0xC8;
	[sflag:s19] =	ssyncadd.s32 @!p0 $0xFFFFFF38  }
0x44: {  	[tilespmem:s26], [sflag:$0x9] =	stream.indirect.gather @!p0 [hbm4b:s6+s25], $0x40, s23, s25, $0xb8;
	[tilespmem:$0x19640] =	vst v63  }
0x45: {  	s19 =	sadd.s32 @!p0 $0x1FFFF9C0, s0;
	_ =	swait.ge @!p0 [sflag:s24], $0x3200  }
0x46: {  	s19 =	sand.u32 @!p0 $0x1FFFFFC0, s19;
	[sflag:s24] =	ssyncset.done @!p0 $0x0  }
0x47: {  	s25 =	simm.s32 @!p0 $0x578;
	s4 =	rddreg [dreg:$0x1b];
	[sflag:s24] =	ssyncadd.s32 @!p0 $0xFFFFCE00  }
0x48: {  	[tilespmem:s25], [sflag:$0x8] =	stream.linear.gather @!p0 [hbm4b:s4+s23], $0xC8, $0x38;
	[tilespmem:$0x19640] =	vst v63  }
0x49: {  	s19 =	sadd.s32 @!p0 s2, s19;
	s24 =	simm.s32 @!p0 $0x16440;
	s25 =	simm.s32 @!p0 $0x12  }
0x4a: {  	[hbm4b:s19+s23] =	stream.linear.scatter @!p0 [tilespmem:s24], [sflag:$0x18], $0x3200, $0x38;
	[tilespmem:$0x19640] =	vst v63  }
0x4b: {  	_ =	swait.ge @!p0 [sflag:s25], $0x3200  }
0x4c: {  	[sflag:s25] =	ssyncset.done @!p0 $0x0  }
0x4d: {  	[sflag:s25] =	ssyncadd.s32 @!p0 $0xFFFFCE00  }
0x4e: {  	_ =	swait.ge [sflag:s29], $0xC8  }
0x4f: {  	[sflag:s29] =	ssyncset.done $0x0  }
0x50: {  	s7 =	simm.s32 $0x3840;
	[sflag:s29] =	ssyncadd.s32 $0xFFFFFF38  }
0x51: {  	[tilespmem:s7], [sflag:$0xA] =	stream.indirect.gather [hbm4b:s6+s21], $0x40, s21, s21, $0xb8;
	[tilespmem:$0x19640] =	vst v63  }
0x52: {  	_ =	swait.ge [sflag:s1], $0x3200  }
0x53: {  	p1 =	por $0x0, $0x0;
	s23 =	simm.s32 $0x0;
	s24 =	rddreg [dreg:$0xd]  }
0x54: {  	s19 =	simm.s32 @!p1 $0x0;
	s23 =	simm.s32 @p1 $0x5DC0;
	s24 =	sadd.s32 @!p1 $0x0, s24  }
0x55: {  	s31 =	sadd.s32 s13, s23;
	[sflag:s1] =	ssyncset.done $0x0;
	s24 =	sshrl.u32 @!p1 s24, $0x3  }
0x56: {  	s25 =	sshll.u32 s31, $0x3;
	[sflag:s1] =	ssyncadd.s32 $0xFFFFCE00;
	s24 =	sadd.s32 @!p1 s5, s24  }
0x57: {  	[tilespmem:s19], [sflag:$0x1] =	stream.linear.gather @!p1 [hbm4b:s24+s19], $0xC8, $0x38;
	[tilespmem:$0x19640] =	vst v63  }
0x58: {  	s29 =	sadd.s32 s2, s25;
	s25 =	simm.s32 @!p0 $0x13;
	s1 =	rddreg [dreg:$0xe]  }
0x59: {  	[hbm4b:s29+s3] =	stream.linear.scatter [tilespmem:s1], [sflag:$0x11], $0x3200, $0x38;
	[tilespmem:$0x19640] =	vst v63  }
0x5a: {  	_ =	swait.ge @!p0 [sflag:s25], $0x3200  }
0x5b: {  	[sflag:s25] =	ssyncset.done @!p0 $0x0  }
0x5c: {  	[sflag:s25] =	ssyncadd.s32 @!p0 $0xFFFFCE00  }
0x5d: {  	_ =	swait.ge [sflag:s8], $0xC8  }
0x5e: {  	[sflag:s8] =	ssyncset.done $0x0  }
0x5f: {  	s31 =	simm.s32 $0x6A40;
	[sflag:s8] =	ssyncadd.s32 $0xFFFFFF38  }
0x60: {  	[tilespmem:s31], [sflag:$0xB] =	stream.indirect.gather [hbm4b:s6+s21], $0x40, s16, s21, $0xb8;
	[tilespmem:$0x19640] =	vst v63  }
0x61: {  	_ =	swait.ge [sflag:s9], $0x3200  }
0x62: {  	s24 =	rddreg [dreg:$0x3]  }
0x63: {  	s8 =	rddreg [dreg:$0x4]  }
0x64: {  	s26 =	simm.s32 @!p1 $0xC8;
	s24 =	sadd.s32 @!p1 s23, s24;
	s25 =	sadd.s32 s23, s8  }
0x65: {  	[sflag:s9] =	ssyncset.done $0x0;
	s24 =	sshrl.u32 @!p1 s24, $0x3;
	s25 =	sshll.u32 s25, $0x3  }
0x66: {  	[sflag:s9] =	ssyncadd.s32 $0xFFFFCE00;
	s24 =	sadd.s32 @!p1 s5, s24;
	s9 =	sand.u32 $0x1FFFFE40, s25  }
0x67: {  	[tilespmem:s26], [sflag:$0x2] =	stream.linear.gather @!p1 [hbm4b:s24+s19], $0xC8, $0x38;
	[tilespmem:$0x19640] =	vst v63  }
0x68: {  	s25 =	simm.s32 @!p0 $0x14;
	s24 =	sadd.s32 s2, s9  }
0x69: {  	[hbm4b:s24+s3] =	stream.linear.scatter [tilespmem:s7], [sflag:$0x12], $0x3200, $0x38;
	[tilespmem:$0x19640] =	vst v63  }
0x6a: {  	_ =	swait.ge @!p0 [sflag:s25], $0x3200  }
0x6b: {  	[sflag:s25] =	ssyncset.done @!p0 $0x0  }
0x6c: {  	[sflag:s25] =	ssyncadd.s32 @!p0 $0xFFFFCE00  }
0x6d: {  	_ =	swait.ge [sflag:s11], $0xC8  }
0x6e: {  	[sflag:s11] =	ssyncset.done $0x0  }
0x6f: {  	[sflag:s11] =	ssyncadd.s32 $0xFFFFFF38;
	s11 =	simm.s32 $0x9C40  }
0x70: {  	[tilespmem:s11], [sflag:$0xC] =	stream.indirect.gather [hbm4b:s6+s21], $0x40, s22, s21, $0xb8;
	[tilespmem:$0x19640] =	vst v63  }
0x71: {  	_ =	swait.ge [sflag:s12], $0x3200  }
0x72: {  	s24 =	rddreg [dreg:$0x5]  }
0x73: {  	s26 =	simm.s32 @!p1 $0x190;
	s22 =	rddreg [dreg:$0x6];
	s24 =	sadd.s32 @!p1 s23, s24  }
0x74: {  	[sflag:s12] =	ssyncset.done $0x0;
	s25 =	sadd.s32 s23, s22;
	s24 =	sshrl.u32 @!p1 s24, $0x3  }
0x75: {  	[sflag:s12] =	ssyncadd.s32 $0xFFFFCE00;
	s25 =	sshll.u32 s25, $0x3;
	s24 =	sadd.s32 @!p1 s5, s24  }
0x76: {  	[tilespmem:s26], [sflag:$0x3] =	stream.linear.gather @!p1 [hbm4b:s24+s19], $0xC8, $0x38;
	[tilespmem:$0x19640] =	vst v63  }
0x77: {  	s26 =	sand.u32 $0x1FFFFE80, s25  }
0x78: {  	s25 =	simm.s32 @!p0 $0x15;
	s24 =	sadd.s32 s2, s26  }
0x79: {  	[hbm4b:s24+s3] =	stream.linear.scatter [tilespmem:s31], [sflag:$0x13], $0x3200, $0x38;
	[tilespmem:$0x19640] =	vst v63  }
0x7a: {  	_ =	swait.ge @!p0 [sflag:s25], $0x3200  }
0x7b: {  	[sflag:s25] =	ssyncset.done @!p0 $0x0  }
0x7c: {  	[sflag:s25] =	ssyncadd.s32 @!p0 $0xFFFFCE00  }
0x7d: {  	_ =	swait.ge [sflag:s14], $0xC8  }
0x7e: {  	[sflag:s14] =	ssyncset.done $0x0  }
0x7f: {  	s16 =	simm.s32 $0xCE40;
	[sflag:s14] =	ssyncadd.s32 $0xFFFFFF38  }
0x80: {  	[tilespmem:s16], [sflag:$0xD] =	stream.indirect.gather [hbm4b:s6+s21], $0x40, s30, s21, $0xb8;
	[tilespmem:$0x19640] =	vst v63  }
0x81: {  	_ =	swait.ge [sflag:s15], $0x3200  }
0x82: {  	s24 =	rddreg [dreg:$0x7]  }
0x83: {  	s29 =	rddreg [dreg:$0x8]  }
0x84: {  	s26 =	simm.s32 @!p1 $0x258;
	s24 =	sadd.s32 @!p1 s23, s24;
	s25 =	sadd.s32 s23, s29  }
0x85: {  	[sflag:s15] =	ssyncset.done $0x0;
	s24 =	sshrl.u32 @!p1 s24, $0x3;
	s25 =	sshll.u32 s25, $0x3  }
0x86: {  	[sflag:s15] =	ssyncadd.s32 $0xFFFFCE00;
	s24 =	sadd.s32 @!p1 s5, s24;
	s30 =	sand.u32 $0x1FFFFEC0, s25  }
0x87: {  	[tilespmem:s26], [sflag:$0x4] =	stream.linear.gather @!p1 [hbm4b:s24+s19], $0xC8, $0x38;
	[tilespmem:$0x19640] =	vst v63  }
0x88: {  	s25 =	simm.s32 @!p0 $0x16;
	s24 =	sadd.s32 s2, s30  }
0x89: {  	[hbm4b:s24+s3] =	stream.linear.scatter [tilespmem:s11], [sflag:$0x14], $0x3200, $0x38;
	[tilespmem:$0x19640] =	vst v63  }
0x8a: {  	_ =	swait.ge @!p0 [sflag:s25], $0x3200  }
0x8b: {  	[sflag:s25] =	ssyncset.done @!p0 $0x0  }
0x8c: {  	[sflag:s25] =	ssyncadd.s32 @!p0 $0xFFFFCE00  }
0x8d: {  	_ =	swait.ge [sflag:s17], $0xC8  }
0x8e: {  	[sflag:s17] =	ssyncset.done $0x0  }
0x8f: {  	s7 =	simm.s32 $0xD;
	s22 =	simm.s32 $0x10040;
	[sflag:s17] =	ssyncadd.s32 $0xFFFFFF38  }
0x90: {  	[tilespmem:s22], [sflag:$0xE] =	stream.indirect.gather [hbm4b:s6+s21], $0x40, s28, s21, $0xb8;
	[tilespmem:$0x19640] =	vst v63  }
0x91: {  	_ =	swait.ge [sflag:s7], $0x3200  }
0x92: {  	s24 =	rddreg [dreg:$0x9]  }
0x93: {  	s31 =	rddreg [dreg:$0xa]  }
0x94: {  	s26 =	simm.s32 @!p1 $0x320;
	s24 =	sadd.s32 @!p1 s23, s24;
	s25 =	sadd.s32 s23, s31  }
0x95: {  	[sflag:s7] =	ssyncset.done $0x0;
	s24 =	sshrl.u32 @!p1 s24, $0x3;
	s25 =	sshll.u32 s25, $0x3  }
0x96: {  	[sflag:s7] =	ssyncadd.s32 $0xFFFFCE00;
	s24 =	sadd.s32 @!p1 s5, s24;
	s28 =	sand.u32 $0x1FFFFF00, s25  }
0x97: {  	[tilespmem:s26], [sflag:$0x5] =	stream.linear.gather @!p1 [hbm4b:s24+s19], $0xC8, $0x38;
	[tilespmem:$0x19640] =	vst v63  }
0x98: {  	s25 =	simm.s32 @!p0 $0x17;
	s24 =	sadd.s32 s2, s28  }
0x99: {  	[hbm4b:s24+s3] =	stream.linear.scatter [tilespmem:s16], [sflag:$0x15], $0x3200, $0x38;
	[tilespmem:$0x19640] =	vst v63  }
0x9a: {  	_ =	swait.ge @!p0 [sflag:s25], $0x3200  }
0x9b: {  	[sflag:s25] =	ssyncset.done @!p0 $0x0  }
0x9c: {  	[sflag:s25] =	ssyncadd.s32 @!p0 $0xFFFFCE00  }
0x9d: {  	_ =	swait.ge [sflag:s20], $0xC8  }
0x9e: {  	[sflag:s20] =	ssyncset.done $0x0  }
0x9f: {  	s18 =	simm.s32 $0x4B0;
	s29 =	simm.s32 $0x13240;
	[sflag:s20] =	ssyncadd.s32 $0xFFFFFF38  }
0xa0: {  	[tilespmem:s29], [sflag:$0xF] =	stream.indirect.gather [hbm4b:s6+s21], $0x40, s18, s21, $0xb8;
	[tilespmem:$0x19640] =	vst v63  }
0xa1: {  	s1 =	simm.s32 $0x9;
	s8 =	simm.s32 $0x3;
	s18 =	simm.s32 $0xE  }
0xa2: {  	s9 =	simm.s32 $0xA;
	s12 =	simm.s32 $0xB;
	_ =	swait.ge [sflag:s18], $0x3200  }
0xa3: {  	s14 =	simm.s32 $0x5;
	s15 =	simm.s32 $0xC;
	s24 =	rddreg [dreg:$0xb]  }
0xa4: {  	s11 =	simm.s32 $0x4;
	s17 =	simm.s32 $0x6;
	s30 =	rddreg [dreg:$0xc]  }
0xa5: {  	s26 =	simm.s32 @!p1 $0x3E8;
	s24 =	sadd.s32 @!p1 s23, s24;
	s23 =	sadd.s32 s23, s30  }
0xa6: {  	[sflag:s18] =	ssyncset.done $0x0;
	s24 =	sshrl.u32 @!p1 s24, $0x3;
	s23 =	sshll.u32 s23, $0x3  }
0xa7: {  	[sflag:s18] =	ssyncadd.s32 $0xFFFFCE00;
	s24 =	sadd.s32 @!p1 s5, s24;
	s31 =	sand.u32 $0x1FFFFF40, s23  }
0xa8: {  	[tilespmem:s26], [sflag:$0x6] =	stream.linear.gather @!p1 [hbm4b:s24+s19], $0xC8, $0x38;
	[tilespmem:$0x19640] =	vst v63  }
0xa9: {  	s25 =	sadd.s32 $0xC8, s4;
	s23 =	simm.s32 $0x640;
	s19 =	sadd.s32 s2, s31  }
0xaa: {  	[hbm4b:s19+s3] =	stream.linear.scatter [tilespmem:s22], [sflag:$0x16], $0x3200, $0x38;
	[tilespmem:$0x19640] =	vst v63  }
0xab: {  	s24 =	sadd.s32 $0xC8, s10;
	s26 =	smov.u32 s0;
	s19 =	simm.s32 @!p0 $0x18  }
.LBB2_2:
0xac: {  	_ =	swait.ge @!p0 [sflag:s19], $0x3200  }
0xad: {  	[sflag:s19] =	ssyncset.done @!p0 $0x0  }
0xae: {  	s0 =	simm.s32 $0x8;
	[sflag:s19] =	ssyncadd.s32 @!p0 $0xFFFFCE00  }
0xaf: {  	s28 =	smov.u32 s23;
	_ =	swait.ge [sflag:s0], $0xC8  }
0xb0: {  	s31 =	simm.s32 $0x578;
	p0 =	seq.s32 s28, $0x0;
	[sflag:s0] =	ssyncset.done $0x0  }
0xb1: {  	s10 =	simm.s32 $0x16440;
	s19 =	simm.s32 @p0 $0x1;
	[sflag:s0] =	ssyncadd.s32 $0xFFFFFF38  }
0xb2: {  	[tilespmem:s10], [sflag:$0x10] =	stream.indirect.gather [hbm4b:s6+s21], $0x40, s31, s21, $0xb8;
	[tilespmem:$0x19640] =	vst v63  }
0xb3: {  	s26 =	sadd.s32 $0x3200, s26;
	s16 =	smov.u32 s13;
	_ =	swait.ge @p0 [sflag:s19], $0xC8  }
0xb4: {  	s30 =	simm.s32 @p0 $0x0;
	s13 =	simm.s32 @p0 $0x640;
	[sflag:s19] =	ssyncset.done @p0 $0x0  }
0xb5: {  	s0 =	simm.s32 @!p0 $0xF;
	s10 =	simm.s32 @p0 $0xC8;
	[sflag:s19] =	ssyncadd.s32 @p0 $0xFFFFFF38  }
0xb6: {  	[tilespmem:s13], [sflag:$0x9] =	stream.indirect.gather @p0 [hbm4b:s6+s10], $0x40, s30, s10, $0xb8;
	[tilespmem:$0x19640] =	vst v63  }
0xb7: {  	s22 =	sadd.s32 @!p0 $0x1FFFF380, s26;
	_ =	swait.ge @!p0 [sflag:s0], $0x3200  }
0xb8: {  	s22 =	sand.u32 @!p0 $0x1FFFFF80, s22;
	[sflag:s0] =	ssyncset.done @!p0 $0x0  }
0xb9: {  	s10 =	simm.s32 @!p0 $0x0;
	s13 =	simm.s32 @!p0 $0x4B0;
	[sflag:s0] =	ssyncadd.s32 @!p0 $0xFFFFCE00  }
0xba: {  	[tilespmem:s13], [sflag:$0x7] =	stream.linear.gather @!p0 [hbm4b:s24+s10], $0xC8, $0x38;
	[tilespmem:$0x19640] =	vst v63  }
0xbb: {  	s19 =	sadd.s32 @!p0 s2, s22;
	s0 =	simm.s32 @!p0 $0x13240;
	s13 =	simm.s32 @!p0 $0x11  }
0xbc: {  	[hbm4b:s19+s10] =	stream.linear.scatter @!p0 [tilespmem:s0], [sflag:$0x17], $0x3200, $0x38;
	[tilespmem:$0x19640] =	vst v63  }
0xbd: {  	_ =	swait.ge @!p0 [sflag:s13], $0x3200  }
0xbe: {  	[sflag:s13] =	ssyncset.done @!p0 $0x0  }
0xbf: {  	s0 =	simm.s32 @!p0 $0x1;
	[sflag:s13] =	ssyncadd.s32 @!p0 $0xFFFFCE00  }
0xc0: {  	_ =	swait.ge @!p0 [sflag:s0], $0xC8  }
0xc1: {  	s22 =	simm.s32 @!p0 $0x640;
	[sflag:s0] =	ssyncset.done @!p0 $0x0  }
0xc2: {  	s19 =	simm.s32 @!p0 $0xC8;
	s13 =	simm.s32 @!p0 $0x10;
	[sflag:s0] =	ssyncadd.s32 @!p0 $0xFFFFFF38  }
0xc3: {  	[tilespmem:s22], [sflag:$0x9] =	stream.indirect.gather @!p0 [hbm4b:s6+s19], $0x40, s10, s19, $0xb8;
	[tilespmem:$0x19640] =	vst v63  }
0xc4: {  	_ =	swait.ge @!p0 [sflag:s13], $0x3200  }
0xc5: {  	s4 =	sadd.s32 @!p0 $0x1FFFF9C0, s26;
	[sflag:s13] =	ssyncset.done @!p0 $0x0  }
0xc6: {  	s4 =	sand.u32 @!p0 $0x1FFFFFC0, s4;
	s0 =	simm.s32 @!p0 $0x578;
	[sflag:s13] =	ssyncadd.s32 @!p0 $0xFFFFCE00  }
0xc7: {  	[tilespmem:s0], [sflag:$0x8] =	stream.linear.gather @!p0 [hbm4b:s25+s10], $0xC8, $0x38;
	[tilespmem:$0x19640] =	vst v63  }
0xc8: {  	s4 =	sadd.s32 @!p0 s2, s4;
	s13 =	simm.s32 @!p0 $0x12;
	s0 =	simm.s32 @!p0 $0x16440  }
0xc9: {  	[hbm4b:s4+s10] =	stream.linear.scatter @!p0 [tilespmem:s0], [sflag:$0x18], $0x3200, $0x38;
	[tilespmem:$0x19640] =	vst v63  }
0xca: {  	_ =	swait.ge @!p0 [sflag:s13], $0x3200  }
0xcb: {  	[sflag:s13] =	ssyncset.done @!p0 $0x0  }
0xcc: {  	s4 =	simm.s32 $0x2;
	[sflag:s13] =	ssyncadd.s32 @!p0 $0xFFFFCE00  }
0xcd: {  	_ =	swait.ge [sflag:s4], $0xC8  }
0xce: {  	[sflag:s4] =	ssyncset.done $0x0  }
0xcf: {  	s29 =	simm.s32 $0x3840;
	[sflag:s4] =	ssyncadd.s32 $0xFFFFFF38  }
0xd0: {  	[tilespmem:s29], [sflag:$0xA] =	stream.indirect.gather [hbm4b:s6+s21], $0x40, s21, s21, $0xb8;
	[tilespmem:$0x19640] =	vst v63  }
0xd1: {  	p2 =	seq.s32 s28, $0x5DC0;
	_ =	swait.ge [sflag:s1], $0x3200  }
0xd2: {  	s19 =	simm.s32 @!p2 $0x0;
	s0 =	rddreg [dreg:$0xd]  }
0xd3: {  	s13 =	smov.u32 s16;
	s0 =	sadd.s32 @!p2 s28, s0;
	s28 =	simm.s32 @p2 $0x5DC0  }
0xd4: {  	[sflag:s1] =	ssyncset.done $0x0;
	s0 =	sshrl.u32 @!p2 s0, $0x3;
	s10 =	sadd.s32 s13, s28  }
0xd5: {  	[sflag:s1] =	ssyncadd.s32 $0xFFFFCE00;
	s0 =	sadd.s32 @!p2 s5, s0;
	s4 =	sshll.u32 s10, $0x3  }
0xd6: {  	[tilespmem:s19], [sflag:$0x1] =	stream.linear.gather @!p2 [hbm4b:s0+s19], $0xC8, $0x38;
	[tilespmem:$0x19640] =	vst v63  }
0xd7: {  	s10 =	rddreg [dreg:$0xe];
	s31 =	sadd.s32 s2, s4;
	s4 =	simm.s32 @!p0 $0x13  }
0xd8: {  	[hbm4b:s31+s3] =	stream.linear.scatter [tilespmem:s10], [sflag:$0x11], $0x3200, $0x38;
	[tilespmem:$0x19640] =	vst v63  }
0xd9: {  	_ =	swait.ge @!p0 [sflag:s4], $0x3200  }
0xda: {  	[sflag:s4] =	ssyncset.done @!p0 $0x0  }
0xdb: {  	[sflag:s4] =	ssyncadd.s32 @!p0 $0xFFFFCE00  }
0xdc: {  	_ =	swait.ge [sflag:s8], $0xC8  }
0xdd: {  	[sflag:s8] =	ssyncset.done $0x0  }
0xde: {  	s16 =	simm.s32 $0x190;
	s31 =	simm.s32 $0x6A40;
	[sflag:s8] =	ssyncadd.s32 $0xFFFFFF38  }
0xdf: {  	[tilespmem:s31], [sflag:$0xB] =	stream.indirect.gather [hbm4b:s6+s21], $0x40, s16, s21, $0xb8;
	[tilespmem:$0x19640] =	vst v63  }
0xe0: {  	_ =	swait.ge [sflag:s9], $0x3200  }
0xe1: {  	s0 =	rddreg [dreg:$0x3]  }
0xe2: {  	s10 =	simm.s32 @!p2 $0xC8;
	s4 =	rddreg [dreg:$0x4];
	s0 =	sadd.s32 @!p2 s28, s0  }
0xe3: {  	[sflag:s9] =	ssyncset.done $0x0;
	s4 =	sadd.s32 s28, s4;
	s0 =	sshrl.u32 @!p2 s0, $0x3  }
0xe4: {  	[sflag:s9] =	ssyncadd.s32 $0xFFFFCE00;
	s4 =	sshll.u32 s4, $0x3;
	s0 =	sadd.s32 @!p2 s5, s0  }
0xe5: {  	[tilespmem:s10], [sflag:$0x2] =	stream.linear.gather @!p2 [hbm4b:s0+s19], $0xC8, $0x38;
	[tilespmem:$0x19640] =	vst v63  }
0xe6: {  	s10 =	sand.u32 $0x1FFFFE40, s4  }
0xe7: {  	s4 =	simm.s32 @!p0 $0x14;
	s0 =	sadd.s32 s2, s10  }
0xe8: {  	[hbm4b:s0+s3] =	stream.linear.scatter [tilespmem:s29], [sflag:$0x12], $0x3200, $0x38;
	[tilespmem:$0x19640] =	vst v63  }
0xe9: {  	_ =	swait.ge @!p0 [sflag:s4], $0x3200  }
0xea: {  	[sflag:s4] =	ssyncset.done @!p0 $0x0  }
0xeb: {  	[sflag:s4] =	ssyncadd.s32 @!p0 $0xFFFFCE00  }
0xec: {  	_ =	swait.ge [sflag:s11], $0xC8  }
0xed: {  	[sflag:s11] =	ssyncset.done $0x0  }
0xee: {  	s22 =	simm.s32 $0x258;
	s29 =	simm.s32 $0x9C40;
	[sflag:s11] =	ssyncadd.s32 $0xFFFFFF38  }
0xef: {  	[tilespmem:s29], [sflag:$0xC] =	stream.indirect.gather [hbm4b:s6+s21], $0x40, s22, s21, $0xb8;
	[tilespmem:$0x19640] =	vst v63  }
0xf0: {  	_ =	swait.ge [sflag:s12], $0x3200  }
0xf1: {  	s0 =	rddreg [dreg:$0x5]  }
0xf2: {  	s4 =	rddreg [dreg:$0x6]  }
0xf3: {  	s10 =	simm.s32 @!p2 $0x190;
	s0 =	sadd.s32 @!p2 s28, s0;
	s4 =	sadd.s32 s28, s4  }
0xf4: {  	[sflag:s12] =	ssyncset.done $0x0;
	s0 =	sshrl.u32 @!p2 s0, $0x3;
	s4 =	sshll.u32 s4, $0x3  }
0xf5: {  	[sflag:s12] =	ssyncadd.s32 $0xFFFFCE00;
	s0 =	sadd.s32 @!p2 s5, s0;
	s4 =	sand.u32 $0x1FFFFE80, s4  }
0xf6: {  	[tilespmem:s10], [sflag:$0x3] =	stream.linear.gather @!p2 [hbm4b:s0+s19], $0xC8, $0x38;
	[tilespmem:$0x19640] =	vst v63  }
0xf7: {  	s0 =	sadd.s32 s2, s4;
	s4 =	simm.s32 @!p0 $0x15  }
0xf8: {  	[hbm4b:s0+s3] =	stream.linear.scatter [tilespmem:s31], [sflag:$0x13], $0x3200, $0x38;
	[tilespmem:$0x19640] =	vst v63  }
0xf9: {  	_ =	swait.ge @!p0 [sflag:s4], $0x3200  }
0xfa: {  	[sflag:s4] =	ssyncset.done @!p0 $0x0  }
0xfb: {  	[sflag:s4] =	ssyncadd.s32 @!p0 $0xFFFFCE00  }
0xfc: {  	_ =	swait.ge [sflag:s14], $0xC8  }
0xfd: {  	[sflag:s14] =	ssyncset.done $0x0  }
0xfe: {  	s30 =	simm.s32 $0x320;
	s31 =	simm.s32 $0xCE40;
	[sflag:s14] =	ssyncadd.s32 $0xFFFFFF38  }
0xff: {  	[tilespmem:s31], [sflag:$0xD] =	stream.indirect.gather [hbm4b:s6+s21], $0x40, s30, s21, $0xb8;
	[tilespmem:$0x19640] =	vst v63  }
0x100: {  	_ =	swait.ge [sflag:s15], $0x3200  }
0x101: {  	s0 =	rddreg [dreg:$0x7]  }
0x102: {  	s10 =	simm.s32 @!p2 $0x258;
	s4 =	rddreg [dreg:$0x8];
	s0 =	sadd.s32 @!p2 s28, s0  }
0x103: {  	[sflag:s15] =	ssyncset.done $0x0;
	s4 =	sadd.s32 s28, s4;
	s0 =	sshrl.u32 @!p2 s0, $0x3  }
0x104: {  	[sflag:s15] =	ssyncadd.s32 $0xFFFFCE00;
	s4 =	sshll.u32 s4, $0x3;
	s0 =	sadd.s32 @!p2 s5, s0  }
0x105: {  	[tilespmem:s10], [sflag:$0x4] =	stream.linear.gather @!p2 [hbm4b:s0+s19], $0xC8, $0x38;
	[tilespmem:$0x19640] =	vst v63  }
0x106: {  	s10 =	sand.u32 $0x1FFFFEC0, s4  }
0x107: {  	s4 =	simm.s32 @!p0 $0x16;
	s0 =	sadd.s32 s2, s10  }
0x108: {  	[hbm4b:s0+s3] =	stream.linear.scatter [tilespmem:s29], [sflag:$0x14], $0x3200, $0x38;
	[tilespmem:$0x19640] =	vst v63  }
0x109: {  	_ =	swait.ge @!p0 [sflag:s4], $0x3200  }
0x10a: {  	[sflag:s4] =	ssyncset.done @!p0 $0x0  }
0x10b: {  	[sflag:s4] =	ssyncadd.s32 @!p0 $0xFFFFCE00  }
0x10c: {  	_ =	swait.ge [sflag:s17], $0xC8  }
0x10d: {  	[sflag:s17] =	ssyncset.done $0x0  }
0x10e: {  	s29 =	simm.s32 $0x10040;
	s4 =	simm.s32 $0x3E8;
	[sflag:s17] =	ssyncadd.s32 $0xFFFFFF38  }
0x10f: {  	[tilespmem:s29], [sflag:$0xE] =	stream.indirect.gather [hbm4b:s6+s21], $0x40, s4, s21, $0xb8;
	[tilespmem:$0x19640] =	vst v63  }
0x110: {  	_ =	swait.ge [sflag:s7], $0x3200  }
0x111: {  	s0 =	rddreg [dreg:$0x9]  }
0x112: {  	s10 =	simm.s32 @!p2 $0x320;
	s4 =	rddreg [dreg:$0xa];
	s0 =	sadd.s32 @!p2 s28, s0  }
0x113: {  	[sflag:s7] =	ssyncset.done $0x0;
	s4 =	sadd.s32 s28, s4;
	s0 =	sshrl.u32 @!p2 s0, $0x3  }
0x114: {  	[sflag:s7] =	ssyncadd.s32 $0xFFFFCE00;
	s4 =	sshll.u32 s4, $0x3;
	s0 =	sadd.s32 @!p2 s5, s0  }
0x115: {  	[tilespmem:s10], [sflag:$0x5] =	stream.linear.gather @!p2 [hbm4b:s0+s19], $0xC8, $0x38;
	[tilespmem:$0x19640] =	vst v63  }
0x116: {  	s10 =	sand.u32 $0x1FFFFF00, s4  }
0x117: {  	s4 =	simm.s32 @!p0 $0x17;
	s0 =	sadd.s32 s2, s10  }
0x118: {  	[hbm4b:s0+s3] =	stream.linear.scatter [tilespmem:s31], [sflag:$0x15], $0x3200, $0x38;
	[tilespmem:$0x19640] =	vst v63  }
0x119: {  	_ =	swait.ge @!p0 [sflag:s4], $0x3200  }
0x11a: {  	[sflag:s4] =	ssyncset.done @!p0 $0x0  }
0x11b: {  	[sflag:s4] =	ssyncadd.s32 @!p0 $0xFFFFCE00  }
0x11c: {  	_ =	swait.ge [sflag:s20], $0xC8  }
0x11d: {  	[sflag:s20] =	ssyncset.done $0x0  }
0x11e: {  	s10 =	simm.s32 $0x4B0;
	s4 =	simm.s32 $0x13240;
	[sflag:s20] =	ssyncadd.s32 $0xFFFFFF38  }
0x11f: {  	[tilespmem:s4], [sflag:$0xF] =	stream.indirect.gather [hbm4b:s6+s21], $0x40, s10, s21, $0xb8;
	[tilespmem:$0x19640] =	vst v63  }
0x120: {  	s23 =	sadd.s32 $0x640, s23;
	_ =	swait.ge [sflag:s18], $0x3200  }
0x121: {  	p1 =	sne.s32 s23, $0x6400;
	s0 =	rddreg [dreg:$0xb]  }
0x122: {  	s24 =	sadd.s32 $0xC8, s24;
	s10 =	simm.s32 @!p2 $0x3E8;
	s31 =	rddreg [dreg:$0xc]  }
0x123: {  	[sflag:s18] =	ssyncset.done $0x0;
	s0 =	sadd.s32 @!p2 s28, s0;
	s4 =	sadd.s32 s28, s31  }
.Ltmp0:
0x124: {  	s0 =	sshrl.u32 @!p2 s0, $0x3;
	s4 =	sshll.u32 s4, $0x3;
	(pc) =	sbr.rel @p1 .LBB2_2-.Ltmp0, $4  }
0x125: {  	[sflag:s18] =	ssyncadd.s32 $0xFFFFCE00;
	s0 =	sadd.s32 @!p2 s5, s0;
	s31 =	sand.u32 $0x1FFFFF40, s4  }
0x126: {  	[tilespmem:s10], [sflag:$0x6] =	stream.linear.gather @!p2 [hbm4b:s0+s19], $0xC8, $0x38;
	[tilespmem:$0x19640] =	vst v63  }
0x127: {  	s25 =	sadd.s32 $0xC8, s25;
	s0 =	sadd.s32 s2, s31;
	s19 =	simm.s32 @!p0 $0x18  }
0x128: {  	[hbm4b:s0+s3] =	stream.linear.scatter [tilespmem:s29], [sflag:$0x16], $0x3200, $0x38;
	[tilespmem:$0x19640] =	vst v63  }
0x129: {  	_ =	swait.ge @!p0 [sflag:s19], $0x3200  }
0x12a: {  	[sflag:s19] =	ssyncset.done @!p0 $0x0  }
0x12b: {  	s0 =	simm.s32 $0x8;
	[sflag:s19] =	ssyncadd.s32 @!p0 $0xFFFFCE00  }
0x12c: {  	_ =	swait.ge [sflag:s0], $0xC8  }
0x12d: {  	s9 =	simm.s32 $0x578;
	[sflag:s0] =	ssyncset.done $0x0  }
0x12e: {  	s4 =	simm.s32 $0x16440;
	s10 =	simm.s32 $0xF;
	[sflag:s0] =	ssyncadd.s32 $0xFFFFFF38  }
0x12f: {  	[tilespmem:s4], [sflag:$0x10] =	stream.indirect.gather [hbm4b:s6+s21], $0x40, s9, s21, $0xb8;
	[tilespmem:$0x19640] =	vst v63  }
0x130: {  	_ =	swait.ge [sflag:s10], $0x3200  }
0x131: {  	s1 =	simm.s32 $0x13240;
	[sflag:s10] =	ssyncset.done $0x0  }
0x132: {  	s12 =	simm.s32 $0x10;
	s11 =	rddreg [dreg:$0x17];
	[sflag:s10] =	ssyncadd.s32 $0xFFFFCE00  }
0x133: {  	[hbm4b:s11+s3] =	stream.linear.scatter [tilespmem:s1], [sflag:$0x17], $0x3200, $0x38;
	[tilespmem:$0x19640] =	vst v63  }
0x134: {  	_ =	swait.ge [sflag:s12], $0x3200  }
0x135: {  	[sflag:s12] =	ssyncset.done $0x0  }
0x136: {  	s15 =	simm.s32 $0x11;
	s14 =	rddreg [dreg:$0x18];
	[sflag:s12] =	ssyncadd.s32 $0xFFFFCE00  }
0x137: {  	[hbm4b:s14+s3] =	stream.linear.scatter [tilespmem:s4], [sflag:$0x18], $0x3200, $0x38;
	[tilespmem:$0x19640] =	vst v63  }
0x138: {  	_ =	swait.ge [sflag:s15], $0x3200  }
0x139: {  	[sflag:s15] =	ssyncset.done $0x0  }
0x13a: {  	s17 =	simm.s32 $0x12;
	[sflag:s15] =	ssyncadd.s32 $0xFFFFCE00  }
0x13b: {  	_ =	swait.ge [sflag:s17], $0x3200  }
0x13c: {  	[sflag:s17] =	ssyncset.done $0x0  }
0x13d: {  	s18 =	simm.s32 $0x13;
	[sflag:s17] =	ssyncadd.s32 $0xFFFFCE00  }
0x13e: {  	_ =	swait.ge [sflag:s18], $0x3200  }
0x13f: {  	[sflag:s18] =	ssyncset.done $0x0  }
0x140: {  	s19 =	simm.s32 $0x14;
	[sflag:s18] =	ssyncadd.s32 $0xFFFFCE00  }
0x141: {  	_ =	swait.ge [sflag:s19], $0x3200  }
0x142: {  	[sflag:s19] =	ssyncset.done $0x0  }
0x143: {  	s23 =	simm.s32 $0x15;
	[sflag:s19] =	ssyncadd.s32 $0xFFFFCE00  }
0x144: {  	_ =	swait.ge [sflag:s23], $0x3200  }
0x145: {  	[sflag:s23] =	ssyncset.done $0x0  }
0x146: {  	s24 =	simm.s32 $0x16;
	[sflag:s23] =	ssyncadd.s32 $0xFFFFCE00  }
0x147: {  	_ =	swait.ge [sflag:s24], $0x3200  }
0x148: {  	[sflag:s24] =	ssyncset.done $0x0  }
0x149: {  	s25 =	simm.s32 $0x17;
	[sflag:s24] =	ssyncadd.s32 $0xFFFFCE00  }
0x14a: {  	_ =	swait.ge [sflag:s25], $0x3200  }
0x14b: {  	[sflag:s25] =	ssyncset.done $0x0  }
0x14c: {  	s26 =	simm.s32 $0x18;
	[sflag:s25] =	ssyncadd.s32 $0xFFFFCE00  }
0x14d: {  	_ =	swait.ge [sflag:s26], $0x3200  }
0x14e: {  	s7 =	rddreg [dreg:$0x1d]  }
0x14f: {  	s31 =	rddreg [dreg:$0x19];
	s7 =	sadd.s32 $0x1, s7  }
0x150: {  	p0 =	sne.s32 s7, s31  }
.Ltmp1:
0x151: {  	s28 =	simm.s32 $0x3E8;
	(pc) =	sbr.rel @p0 .LBB2_1-.Ltmp1, $4  }
0x152: {  	s29 =	simm.s32 $0x2;
	s8 =	simm.s32 $0x3;
	s9 =	simm.s32 $0xA  }
0x153: {  	s1 =	simm.s32 $0x9;
	s11 =	simm.s32 $0x4;
	s12 =	simm.s32 $0xB  }
0x154: {  	s4 =	simm.s32 $0x4B0;
	s14 =	simm.s32 $0x5;
	[sflag:s26] =	ssyncset.done $0x0  }
0x155: {  	s15 =	simm.s32 $0xC;
	s17 =	simm.s32 $0x6;
	[sflag:s26] =	ssyncadd.s32 $0xFFFFCE00  }
0x156: {  	_ =	sfence.sel $0x180000  }
0x157: {  	[bflag:$0x0] =	sbarrier.arrive $0xFFFF  }
0x158: {  	_ =	strace $0x90000047  }
0x159: {  	s0 =	stileid.u32;
	[bflag:$0x2] =	sbarrier.arrive $0xFFFF  }
0x15a: {  	p0 =	sne.s32 s0, $0x0;
	s0 =	rddreg [dreg:$0x2]  }
0x15b: {  	s0 =	sadd.s32 @!p0 $0x100000, s0  }
0x15c: {  	[sflag:s0] =	ssyncadd.tile.s32 @!p0 $0x1;
	_ =	shalt  }
.Lfunc_end2:
_tile_overlayer_lowered:
.L_overlay_start_2:
0x15d: {  	(tag) =	ssettag $0x2  }
0x15e: {  	s0 =	rddreg [dreg:$0x0];
	s2 =	stileid.u32  }
0x15f: {  	s1 =	rddreg [dreg:$0x1];
	p0 =	sne.s32 s2, $0x0  }
0x160: {  	s3 =	rddreg [dreg:$0x2];
	[bflag:$0x3] =	sbarrier.arrive $0xFFFF;
	s2 =	simm.s32 @!p0 $0x1C19  }
0x161: {  	[timem:s3], [sflag:s2] =	dma.local @!p0 [hbm:s0], s1  }
0x162: {  	s0 =	simm.s32 @!p0 $0x19  }
0x163: {  	_ =	swait.ge @!p0 [sflag:s0], s1  }
0x164: {  	s1 =	ssub.s32 @!p0 $0x0, s1;
	[sflag:s0] =	ssyncset.done @!p0 $0x0  }
0x165: {  	[sflag:s0] =	ssyncadd.s32 @!p0 s1  }
0x166: {  	[bflag:$0x3] =	sbarrier.arrive $0xFFFF  }
0x167: {  	_ =	shalt  }

// kernel: sparse-core-data-format-call.cloned.1.call-start
scs
called_computation_lowered:
.L_overlay_start_0:
0x0: {  	s2 =	sld [smem:$0x3FD9]  }
0x1: {  	s3 =	sld [smem:$0x3FFE];
	_ =	sdelay $0x1  }
0x2: {  	s1 =	srdreg.scid  }
0x3: {  	s0 =	sand.u32 $0x1, s1  }
0x4: {  	s18 =	sshll.u32 s0, $0xA;
	s2 =	sadd.s32 s3, s2  }
0x5: {  	s2 =	sadd.s32 s2, s18  }
0x6: {  	[smem:$0x3FC6] =	sst s2  }
0x7: {  	_ = 	snop  }
0x8: {  	s2 =	sld [smem:$0x3FD0];
	(tm) =	ssettm $0x1  }
0x9: {  	s19 =	sld [smem:$0x3FFB];
	_ =	sdelay $0x3  }
0xa: {  	_ =	strace s19  }
0xb: {  	s3 =	sld [smem:$0x3FFC];
	_ =	sdelay $0x3  }
0xc: {  	_ =	strace s3  }
0xd: {  	s3 =	sld [smem:$0x3FFD];
	_ =	sdelay $0x3  }
0xe: {  	_ =	strace s3  }
0xf: {  	_ =	strace $0x8FFFFFFF  }
0x10: {  	s20 =	sld [smem:$0x3FDB];
	_ =	sdelay $0x1  }
0x11: {  	s4 =	simm.s32 $_scs_section_size  }
0x12: {  	s5 =	simm.s32 $_size__tile_overlayer_lowered;
	s6 =	simm.s32 $_tile_overlayer_lowered  }
0x13: {  	s23 =	simm.s32 $0x1BFF;
	s22 =	sshll.u32 s6, $0x1;
	s3 =	sadd.s32 s4, s20  }
0x14: {  	s7 =	simm.s32 $0x0;
	s21 =	sshll.u32 s5, $0x1;
	s5 =	sadd.s32 s22, s3  }
0x15: {  	[timem:s7], [sflag:s23] =	dma.local [hbm:s5], s21  }
0x16: {  	_ =	swait.ge [sflag:s23], s21  }
0x17: {  	s4 =	ssub.s32 $0x0, s21;
	[sflag:s23] =	ssyncset.done $0x0  }
0x18: {  	[sflag:s23] =	ssyncadd.s32 s4;
	_ =	sdelay $0x1  }
0x19: {  	s24 =	simm.s32 $0x1B8B  }
0x1a: {  	_ =	swait.ge [sflag:s24], $0x1  }
0x1b: {  	[sflag:s24] =	ssyncset.done $0x0  }
0x1c: {  	s26 =	simm.s32 $0x1B8E;
	s25 =	sld [smem:$0x3FFE];
	[sflag:s24] =	ssyncadd.s32 $0xFFFFFFFF  }
0x1d: {  	s27 =	simm.s32 $execute0_lowered;
	[smem:$0x3FD2] =	sst s26  }
0x1e: {  	s5 =	sshll.u32 s27, $0x1;
	_ =	strace $0x80000049;
	[dreg:$0x1] =	wrdreg $0xFFFFFFFF  }
0x1f: {  	s28 =	simm.s32 $_size_execute0_lowered;
	s3 =	sadd.s32 s3, s5;
	[dreg:$0x0] =	wrdreg $0x0  }
0x20: {  	s5 =	sshll.u32 s28, $0x1;
	[dreg:$0x2] =	wrdreg s3  }
0x21: {  	[dreg:$0x3] =	wrdreg s5  }
0x22: {  	[dreg:$0x4] =	wrdreg $0xC0  }
0x23: {  	_ =	task [dreg:s7], $0x5FFFF  }
0x24: {  	[dreg:$0x1] =	wrdreg $0xFFFFFFFF  }
0x25: {  	[dreg:$0x0] =	wrdreg $0x60  }
0x26: {  	[dreg:$0x2] =	wrdreg s25  }
0x27: {  	[dreg:$0x3] =	wrdreg s2  }
0x28: {  	[dreg:$0x4] =	wrdreg $0x9  }
0x29: {  	_ =	task.clear_ibuf [dreg:s7], $0x5FFFF;
	_ =	strace $0x90000049  }
0x2a: {  	s29 =	simm.s32 $0x9;
	_ =	strace $0x8000004B  }
0x2b: {  	_ =	swait.ge [sflag:s29], $0x1  }
0x2c: {  	[sflag:s29] =	ssyncadd.s32 $0xFFFFFFFF  }
0x2d: {  	_ =	strace $0x9000004B  }
0x2e: {  	_ =	sfence  }
0x2f: {  	s30 =	sld [smem:$0x0];
	_ =	sdelay $0x2  }
0x30: {  	s31 =	sshll.u32 s1, $0xD;
	s1 =	sshrl.u32 s1, $0x2  }
0x31: {  	s3 =	sand.u32 $0x4000, s31;
	s1 =	sadd.s32 s1, s30  }
0x32: {  	s0 =	sor.u32 s3, s0;
	s1 =	sshll.u32 s1, $0x11  }
0x33: {  	s0 =	sor.u32 s1, s0  }
0x34: {  	s0 =	sadd.s32 $0x8F2B, s0  }
0x35: {  	[sflag:s0] =	ssyncadd.remote.s32 $0x1  }
0x36: {  	_ =	sfence.sel $0xFFFF  }
0x37: {  	[dreg:$0x0] =	wrdreg $0xFFFFFFFF;
	(pc) =	sbr.abs _section_cstart, $3  }
0x38: {  	[dreg:$0x1] =	wrdreg $0xFFFFFFFF  }
0x39: {  	_ =	task.clear_ibuf [dreg:s7], $0x2FFFF;
	_ =	strace $0x9FFFFFFF  }
0x3a: {  	(tm) =	ssettm $0x7FFFFFFF  }
0x3b: {  	_ =	shalt  }
tec
execute0_lowered:
.L_overlay_start_1:
0x0: {  	(tag) =	ssettag $0x1  }
0x1: {  	s0 =	srdreg.scid  }
0x2: {  	s1 =	sshll.u32 s0, $0x4  }
0x3: {  	s0 =	stileid.u32;
	s1 =	sand.u32 $0x10, s1  }
0x4: {  	s1 =	sor.u32 s0, s1  }
0x5: {  	s6 =	rddreg [dreg:$0x0];
	s4 =	simm.s32 $0x1;
	s2 =	sshll.u32 s1, $0x7  }
0x6: {  	s7 =	simm.s32 $0x2;
	s12 =	simm.s32 $0x0;
	s1 =	ssub.s32 $0x4000, s2  }
0x7: {  	s8 =	simm.s32 $0x20000;
	s13 =	simm.s32 $0x0;
	s3 =	sand.u32 $0xF80, s1  }
0x8: {  	s9 =	simm.s32 $0x0;
	s5 =	sshrl.u32 s1, $0xC;
	p0 =	sne.s32 s3, $0x0  }
.Ltmp0:
0x9: {  	s1 =	rddreg [dreg:$0x2];
	s4 =	simm.s32 @!p0 $0x0;
	(pc) =	sbr.rel .LBB1_1-.Ltmp0, $4  }
0xa: {  	s11 =	simm.s32 $0x0;
	s3 =	rddreg [dreg:$0x1];
	s5 =	sadd.s32 s4, s5  }
0xb: {  	_ =	strace $0x8000004A;
	s4 =	simm.s32 $0x1;
	s5 =	smul.u32 $0x32, s5  }
0xc: {  	s6 =	sadd.s32 $0xA00, s6;
	s10 =	smov.u32 s2;
	[sflag:s4] =	ssyncpa.u1 $0x0  }
0xd: {  	p0 =	por $0x0, $0x0;
	[sflag:s7] =	ssyncpa.u1 $0x0;
	s7 =	sor.u32 $0x1, s5  }
.LBB1_4:
0xe: {  	s16 =	sshll.u32 s13, $0x3;
	s17 =	sand.u32 $0x78, s13  }
0xf: {  	s30 =	sand.u32 $0x1F800, s13;
	s12 =	sshll.u32 s12, $0x11;
	s16 =	sand.u32 $0x3C00, s16  }
0x10: {  	[tilespmem:s15+$0x810 ss:$0x81] =	vst.msk $0xffff, v2;
	s31 =	sand.u32 $0x7, s13;
	s16 =	sor.u32 s17, s16;
	s17 =	sadd.s32 s3, s30  }
0x11: {  	[tilespmem:s15+$0x1020 ss:$0x81] =	vst.msk $0xffff, v0;
	s13 =	sshll.u32 s31, $0x12;
	s12 =	sadd.s32 s12, s17;
	s16 =	sshrl.u32 s16, $0x3  }
0x12: {  	[tilespmem:s15+$0x0 ss:$0x81] =	vst.msk $0xffff, v1;
	s13 =	sor.u32 $0x400, s13;
	s12 =	sadd.s32 s16, s12  }
0x13: {  	[hbm4b:s12+s13] =	stream.strided.scatter [tilespmem:s14], [sflag:$0x2], $0x2000, s8, s13, $0x20;
	[tilespmem:$0x8080] =	vst v63  }
.LBB1_5:
0x14: {  	s14 =	sadd.s32 $0x1, s9  }
0x15: {  	s12 =	sadd.s32 $0x1000, s10;
	s16 =	smov.u32 s10;
	p2 =	sgt.s32 s14, $0x31  }
0x16: {  	s16 =	smov.u32 @p2 s12  }
0x17: {  	s14 =	simm.s32 @p2 $0x0;
	p2 =	sgt.s32 s16, $0x3FFF  }
0x18: {  	s16 =	smov.u32 @p2 s2;
	p2 =	sne.s32 s11, s7  }
.Ltmp1:
0x19: {  	p1 =	slt.u32 s11, $0x2;
	(pc) =	sbr.rel @!p2 .LBB1_6-.Ltmp1, $4  }
0x1a: {  	s15 =	simm.s32 @!p1 $0x2  }
0x1b: {  	s13 =	smov.u32 s10;
	p0 =	por !p0, !p0;
	_ =	swait.ge @!p1 [sflag:s15], $0x2000  }
0x1c: {  	s12 =	smov.u32 s9;
	[sflag:s15] =	ssyncset.done @!p1 $0x0;
	s9 =	smov.u32 s14  }
0x1d: {  	s11 =	sadd.s32 $0x1, s11;
	[sflag:s15] =	ssyncadd.s32 @!p1 $0xFFFFE000;
	s10 =	smov.u32 s16  }
.LBB1_1:
0x1e: {  	p1 =	sge.u32 s11, s5  }
0x1f: {  	s14 =	sand.u32 @!p1 $0x1FFFFFF, s9  }
0x20: {  	s15 =	smulhi.u32 @!p1 $0x4924925, s14;
	_ =	sdelay $0x1  }
0x21: {  	s15 =	smul.u32 @!p1 $0x38, s15  }
0x22: {  	s16 =	sxor.u32 @!p1 $0xFFFFFFFF, s11;
	s17 =	smul.u32 @!p1 $0x380, s10  }
0x23: {  	s31 =	sadd.s32 $0xFFFFFFFF, s11;
	s16 =	sshll.u32 @!p1 s16, $0xD;
	s14 =	ssub.s32 @!p1 s14, s15  }
0x24: {  	s15 =	sand.u32 @!p1 $0x2000, s16;
	s16 =	sadd.s32 @!p1 s6, s17;
	s14 =	sshll.u32 @!p1 s14, $0x4  }
0x25: {  	s17 =	simm.s32 @!p1 $0x1C00;
	s14 =	sadd.s32 @!p1 s14, s16;
	s16 =	simm.s32 @!p1 $0x40  }
0x26: {  	[tilespmem:s15], [sflag:$0x1] =	stream.strided.gather @!p1 [hbm4b:s14+s16], $0x2000, s17, s16, $0x38;
	[tilespmem:$0x8080] =	vst v63  }
0x27: {  	p1 =	sge.u32 s31, s5  }
.Ltmp2:
0x28: {  	_ = 	snop;
	(pc) =	sbr.rel @p1 .LBB1_5-.Ltmp2, $1  }
0x29: {  	_ =	sdelay $0x3  }
0x2a: {  	s14 =	simm.s32 $0x1  }
0x2b: {  	_ =	swait.ge [sflag:s4], $0x2000;
	s14 =	simm.s32 @!p0 $0x0  }
0x2c: {  	[sflag:s4] =	ssyncset.done $0x0;
	s15 =	sshll.u32 s14, $0xD  }
0x2d: {  	[sflag:s4] =	ssyncadd.s32 $0xFFFFE000;
	s18 =	sor.u32 $0x20, s15  }
0x2e: {  	s14 =	smul.u32 $0x8100, s14;
	v3 =	vld [tilespmem:s18+$0x10]  }
0x2f: {  	s30 =	sand.u32 $0x1, s11;
	v2 =	vld [tilespmem:s18+$0xFFFFFFF0]  }
0x30: {  	s15 =	smul.u32 $0x8100, s30;
	s14 =	sshrl.u32 s14, $0x2;
	v0 =	vld [tilespmem:s18+$0x0]  }
0x31: {  	v1 =	vld [tilespmem:s18+$0xFFFFFFE0];
	s16 =	sor.u32 $0x4000, s14  }
0x32: {  	s31 =	sshrl.u32 s15, $0x2;
	s15 =	sadd.s32 $0x0, s16  }
0x33: {  	s17 =	simm.s32 $0x4;
	s18 =	sadd.s32 $0x40, s18;
	s14 =	sor.u32 $0x4000, s31;
	[tilespmem:s15+$0x1830 ss:$0x81] =	vst.msk $0xffff, v3  }
.LBB1_3:
0x34: {  	v3 =	vld [tilespmem:s18+$0x10];
	p1 =	sne.s32 s17, $0x1FC;
	[tilespmem:s15+$0x810 ss:$0x81] =	vst.msk $0xffff, v2;
	s19 =	smov.u32 s17;
	s17 =	sadd.s32 $0x4, s17  }
.Ltmp3:
0x35: {  	v2 =	vld [tilespmem:s18+$0xFFFFFFF0];
	[tilespmem:s15+$0x1020 ss:$0x81] =	vst.msk $0xffff, v0;
	(pc) =	sbr.rel @p1 .LBB1_3-.Ltmp3, $4  }
0x36: {  	v0 =	vld [tilespmem:s18+$0x0];
	[tilespmem:s15+$0x0 ss:$0x81] =	vst.msk $0xffff, v1  }
0x37: {  	s15 =	sshra.s32 s19, $0x2;
	v1 =	vld [tilespmem:s18+$0xFFFFFFE0]  }
0x38: {  	s15 =	sadd.s32 s15, s16  }
0x39: {  	s18 =	sadd.s32 $0x40, s18;
	[tilespmem:s15+$0x1830 ss:$0x81] =	vst.msk $0xffff, v3  }
.Ltmp4:
0x3a: {  	_ = 	snop;
	(pc) =	sbr.rel .LBB1_4-.Ltmp4, $1  }
0x3b: {  	_ =	sdelay $0x3  }
.LBB1_6:
0x3c: {  	_ =	sfence.sel $0x180000  }
0x3d: {  	s2 =	simm.s32 $0x1;
	[bflag:$0x0] =	sbarrier.arrive $0xFFFF  }
0x3e: {  	s31 =	simm.s32 $0x2;
	[sflag:s2] =	ssyncpa.u1 $0x1  }
0x3f: {  	[sflag:s31] =	ssyncpa.u1 $0x1  }
0x40: {  	p0 =	sne.s32 s0, $0x0;
	_ =	strace $0x9000004A  }
0x41: {  	s0 =	sadd.s32 @!p0 $0x100000, s1;
	[bflag:$0x2] =	sbarrier.arrive $0xFFFF  }
0x42: {  	[sflag:s0] =	ssyncadd.tile.s32 @!p0 $0x1;
	_ =	shalt  }
.Lfunc_end1:
_tile_overlayer_lowered:
.L_overlay_start_2:
0x43: {  	(tag) =	ssettag $0x2  }
0x44: {  	s0 =	rddreg [dreg:$0x0];
	s2 =	stileid.u32  }
0x45: {  	s1 =	rddreg [dreg:$0x1];
	p0 =	sne.s32 s2, $0x0  }
0x46: {  	s3 =	rddreg [dreg:$0x2];
	[bflag:$0x3] =	sbarrier.arrive $0xFFFF;
	s2 =	simm.s32 @!p0 $0x1C01  }
0x47: {  	[timem:s3], [sflag:s2] =	dma.local @!p0 [hbm:s0], s1  }
0x48: {  	s0 =	simm.s32 @!p0 $0x1  }
0x49: {  	_ =	swait.ge @!p0 [sflag:s0], s1  }
0x4a: {  	s1 =	ssub.s32 @!p0 $0x0, s1;
	[sflag:s0] =	ssyncset.done @!p0 $0x0  }
0x4b: {  	[sflag:s0] =	ssyncadd.s32 @!p0 s1  }
0x4c: {  	[bflag:$0x3] =	sbarrier.arrive $0xFFFF  }
0x4d: {  	_ =	shalt  }

</sc_bundles>
